<compile_context>
chip_gen: v7x
topology: tpu7x:2x2x1
jax: 0.10.2.dev20260603
libtpu: 0.0.44.dev20260713+nightly
codegen_flags: <defaults>
</compile_context>

<pallas_src>
import functools

import jax
import jax.numpy as jnp
from jax import lax
from jax.experimental import pallas as pl
from jax.experimental.pallas import tpu as pltpu
from jax.experimental.pallas import tpu_sc as plsc

_NC = 2
_NS = 16
_NW = _NC * _NS
_GRP = 250


def _mesh():
    return plsc.VectorSubcoreMesh(core_axis_name="c", subcore_axis_name="s")


_SC_PARAMS = pltpu.CompilerParams(use_tc_tiling_on_sc=False)


@functools.lru_cache(maxsize=None)
def _make_deg(n, n_pad, g_per_tile):
    f = 8
    rows_slice = n_pad // _NS

    @functools.partial(
        pl.kernel,
        mesh=_mesh(),
        out_type=jax.ShapeDtypeStruct((_NC, n_pad, f), jnp.float32),
        compiler_params=_SC_PARAMS,
        scratch_types=[
            pltpu.VMEM_SHARED((n_pad, f), jnp.float32),
            pltpu.VMEM((g_per_tile, _GRP), jnp.int32),
            pltpu.VMEM((_GRP, f), jnp.float32),
            pltpu.SemaphoreType.DMA,
        ],
    )
    def deg_kernel(dst_hbm, ones_hbm, zeros_hbm, out_hbm,
                   acc_s, dst_v, ones_v, sem):
        c = lax.axis_index("c")
        s = lax.axis_index("s")
        wid = c * _NS + s

        pltpu.sync_copy(ones_hbm, ones_v)
        pltpu.sync_copy(zeros_hbm,
                        acc_s.at[pl.ds(s * rows_slice, rows_slice)])
        plsc.subcore_barrier()

        pltpu.sync_copy(dst_hbm.at[wid], dst_v)

        def body(j, _):
            cps = [pltpu.async_copy(ones_v, acc_s.at[dst_v.at[4 * j + k]],
                                    sem, add=True) for k in range(4)]
            for cp in cps:
                cp.wait()
            return 0

        lax.fori_loop(0, g_per_tile // 4, body, 0)
        plsc.subcore_barrier()
        pltpu.sync_copy(
            acc_s.at[pl.ds(s * rows_slice, rows_slice)],
            out_hbm.at[c, pl.ds(s * rows_slice, rows_slice)],
        )

    return deg_kernel


@functools.lru_cache(maxsize=None)
def _make_agg(n, n_pad, g_per_tile, f):
    rows_slice = n_pad // _NS

    @functools.partial(
        pl.kernel,
        mesh=_mesh(),
        out_type=jax.ShapeDtypeStruct((_NC, n_pad, f), jnp.float32),
        compiler_params=_SC_PARAMS,
        scratch_types=[
            pltpu.VMEM_SHARED((n_pad, f), jnp.float32),
            pltpu.VMEM_SHARED((n_pad, f), jnp.float32),
            pltpu.VMEM((g_per_tile, _GRP), jnp.int32),
            pltpu.VMEM((g_per_tile, _GRP), jnp.int32),
            pltpu.VMEM((_GRP, f), jnp.float32),
            pltpu.VMEM((_GRP, f), jnp.float32),
            pltpu.VMEM((rows_slice, f), jnp.float32),
            pltpu.SemaphoreType.DMA,
            pltpu.SemaphoreType.DMA,
            pltpu.SemaphoreType.DMA,
            pltpu.SemaphoreType.DMA,
        ],
    )
    def agg_kernel(y_hbm, src_hbm, dst_hbm, out_hbm,
                   y_s, acc_s, src_v, dst_v, rows_a, rows_b, tmp_v,
                   gsem_a, gsem_b, ssem_a, ssem_b):
        c = lax.axis_index("c")
        s = lax.axis_index("s")
        wid = c * _NS + s

        def fill(i, _):
            for j in range(f // 16):
                tmp_v[i, pl.ds(j * 16, 16)] = jnp.zeros((16,), jnp.float32)
            return 0

        lax.fori_loop(0, rows_slice, fill, 0)
        pltpu.sync_copy(tmp_v, acc_s.at[pl.ds(s * rows_slice, rows_slice)])
        pltpu.sync_copy(y_hbm.at[pl.ds(s * rows_slice, rows_slice)],
                        y_s.at[pl.ds(s * rows_slice, rows_slice)])
        pltpu.sync_copy(src_hbm.at[wid], src_v)
        pltpu.sync_copy(dst_hbm.at[wid], dst_v)
        plsc.subcore_barrier()

        n_pairs = g_per_tile // 2

        def gather(g, buf, sem):
            return pltpu.async_copy(y_s.at[src_v.at[g]], buf, sem)

        def scatter(g, buf, sem):
            return pltpu.async_copy(buf, acc_s.at[dst_v.at[g]], sem, add=True)

        gather(0, rows_a, gsem_a)

        def body(j, _):
            g0 = 2 * j
            pltpu.make_async_copy(y_s.at[src_v.at[g0]], rows_a, gsem_a).wait()

            @pl.when(j > 0)
            def _():
                pltpu.make_async_copy(rows_b, acc_s.at[dst_v.at[g0]],
                                      ssem_b).wait()

            gather(g0 + 1, rows_b, gsem_b)
            scatter(g0, rows_a, ssem_a)
            pltpu.make_async_copy(y_s.at[src_v.at[g0]], rows_b, gsem_b).wait()
            pltpu.make_async_copy(rows_a, acc_s.at[dst_v.at[g0]],
                                  ssem_a).wait()

            @pl.when(j + 1 < n_pairs)
            def _():
                gather(g0 + 2, rows_a, gsem_a)

            scatter(g0 + 1, rows_b, ssem_b)
            return 0

        lax.fori_loop(0, n_pairs, body, 0)
        pltpu.make_async_copy(rows_b, acc_s.at[dst_v.at[0]], ssem_b).wait()
        plsc.subcore_barrier()
        pltpu.sync_copy(
            acc_s.at[pl.ds(s * rows_slice, rows_slice)],
            out_hbm.at[c, pl.ds(s * rows_slice, rows_slice)],
        )

    return agg_kernel


def _tc_call(body, out_shapes, *args):
    return pl.pallas_call(body, out_shape=out_shapes)(*args)


def _tc1_body(x_ref, w1_ref, degp_ref, y1_ref, dinv_ref):
    n = x_ref.shape[0]
    pad = y1_ref.shape[0] - n
    deg = degp_ref[0, :n, :1] + degp_ref[1, :n, :1] + 1.0
    dinv = lax.rsqrt(deg)
    hw = jnp.dot(x_ref[...], w1_ref[...], preferred_element_type=jnp.float32)
    y1_ref[:n, :] = hw * dinv
    y1_ref[n:, :] = jnp.zeros((pad, y1_ref.shape[1]), jnp.float32)
    dinv_ref[...] = dinv


def _tc_mid_body(aggp_ref, y_ref, dinv_ref, b_ref, g_ref, be_ref,
                 w_ref, out_ref):
    n = dinv_ref.shape[0]
    dinv = dinv_ref[...]
    z = (aggp_ref[0, :n, :] + aggp_ref[1, :n, :] + y_ref[:n, :]) * dinv
    z = z + b_ref[...]
    mu = jnp.mean(z, axis=0, keepdims=True)
    var = jnp.mean((z - mu) ** 2, axis=0, keepdims=True)
    h = (z - mu) * lax.rsqrt(var + 1e-5) * g_ref[...] + be_ref[...]
    h = jax.nn.gelu(h)
    pad = out_ref.shape[0] - n
    out_ref[:n, :] = jnp.dot(h, w_ref[...],
                             preferred_element_type=jnp.float32) * dinv
    out_ref[n:, :] = jnp.zeros((pad, out_ref.shape[1]), jnp.float32)


def _tc_out_body(aggp_ref, y_ref, dinv_ref, b_ref, out_ref):
    n = dinv_ref.shape[0]
    z = (aggp_ref[0, :n, :] + aggp_ref[1, :n, :] + y_ref[:n, :])
    z = z * dinv_ref[...] + b_ref[...]
    m = jnp.max(z, axis=1, keepdims=True)
    sh = z - m
    out_ref[...] = sh - jnp.log(jnp.sum(jnp.exp(sh), axis=1, keepdims=True))


def kernel(x, edge_index, W1, b1, g1, be1, W2, b2, g2, be2, W3, b3):
    n, d = x.shape
    e = edge_index.shape[1]
    f1, f2, f3 = W1.shape[1], W2.shape[1], W3.shape[1]

    n_pad = (n + 1 + 127) // 128 * 128
    g_per_tile = (e + _NW * _GRP - 1) // (_NW * _GRP)
    g_per_tile = (g_per_tile + 3) // 4 * 4
    cap = _NW * g_per_tile * _GRP

    src = edge_index[0]
    dst = edge_index[1]
    pad = cap - e
    if pad:
        src = jnp.concatenate([src, jnp.zeros((pad,), jnp.int32)])
        dst = jnp.concatenate([dst, jnp.full((pad,), n, jnp.int32)])
    src_r = src.reshape(_NW, g_per_tile, _GRP)
    dst_r = dst.reshape(_NW, g_per_tile, _GRP)

    ones8 = jnp.ones((_GRP, 8), jnp.float32)
    zeros8 = jnp.zeros((n_pad // _NS, 8), jnp.float32)
    degp = _make_deg(n, n_pad, g_per_tile)(dst_r, ones8, zeros8)
    y1, dinv = _tc_call(
        _tc1_body,
        [jax.ShapeDtypeStruct((n_pad, f1), jnp.float32),
         jax.ShapeDtypeStruct((n, 1), jnp.float32)],
        x, W1, degp)

    agg16 = _make_agg(n, n_pad, g_per_tile, f1)
    agg32 = _make_agg(n, n_pad, g_per_tile, f2)

    a1 = agg16(y1, src_r, dst_r)
    y2 = _tc_call(
        _tc_mid_body, jax.ShapeDtypeStruct((n_pad, f2), jnp.float32),
        a1, y1, dinv,
        b1.reshape(1, f1), g1.reshape(1, f1), be1.reshape(1, f1), W2)

    a2 = agg32(y2, src_r, dst_r)
    y3 = _tc_call(
        _tc_mid_body, jax.ShapeDtypeStruct((n_pad, f3), jnp.float32),
        a2, y2, dinv,
        b2.reshape(1, f2), g2.reshape(1, f2), be2.reshape(1, f2), W3)

    a3 = _make_agg(n, n_pad, g_per_tile, f3)(y3, src_r, dst_r)
    out = _tc_call(
        _tc_out_body, jax.ShapeDtypeStruct((n, f3), jnp.float32),
        a3, y3, dinv, b3.reshape(1, f3))
    return out

# --- scband reference (transcript-rebuilt; emitter-appended) ---
"""Pipeline reference for scband-gcn-16724602650712 (READ-ONLY COPY).

The authoritative reference and input builder live on the scoring server;
editing this copy changes nothing except your own understanding.
"""

import jax, jax.numpy as jnp
import numpy as np

N = 10000
E = 640000
D = 128
C = 16


def setup_inputs(seed: int = 0) -> dict:
    key = jax.random.key(seed)
    ks = jax.random.split(key, 12)
    x = jax.random.normal(ks[0], (N, D), dtype=jnp.float32)
    edge_index = jax.random.randint(ks[1], (2, E), 0, N, dtype=jnp.int32)
    def glorot(k, fan_in, fan_out):
        s = jnp.sqrt(2.0 / (fan_in + fan_out))
        return jax.random.normal(k, (fan_in, fan_out), dtype=jnp.float32) * s
    W1 = glorot(ks[2], D, 16)
    b1 = jnp.zeros((16,), jnp.float32)
    g1 = jnp.ones((16,), jnp.float32)
    be1 = jnp.zeros((16,), jnp.float32)
    W2 = glorot(ks[3], 16, 32)
    b2 = jnp.zeros((32,), jnp.float32)
    g2 = jnp.ones((32,), jnp.float32)
    be2 = jnp.zeros((32,), jnp.float32)
    W3 = glorot(ks[4], 32, C)
    b3 = jnp.zeros((C,), jnp.float32)
    return {"x": x, "edge_index": edge_index, "W1": W1, "b1": b1, "g1": g1, "be1": be1,
            "W2": W2, "b2": b2, "g2": g2, "be2": be2, "W3": W3, "b3": b3}


def _batch_norm(h, gamma, beta, eps=1e-5):
    mu = jnp.mean(h, axis=0)
    var = jnp.var(h, axis=0)
    return (h - mu) / jnp.sqrt(var + eps) * gamma + beta


def reference(x, edge_index, W1, b1, g1, be1, W2, b2, g2, be2, W3, b3):
    n = x.shape[0]
    src = edge_index[0]
    dst = edge_index[1]
    loop = jnp.arange(n, dtype=src.dtype)
    src = jnp.concatenate([src, loop])
    dst = jnp.concatenate([dst, loop])
    deg = jnp.zeros((n,), x.dtype).at[dst].add(1.0)
    dinv = jnp.where(deg > 0, 1.0 / jnp.sqrt(deg), 0.0)
    norm = dinv[src] * dinv[dst]

    def conv(h, W, b):
        hw = h @ W
        msg = hw[src] * norm[:, None]
        out = jnp.zeros((n, W.shape[1]), h.dtype).at[dst].add(msg)
        return out + b

    h = conv(x, W1, b1)
    h = _batch_norm(h, g1, be1)
    h = jax.nn.gelu(h)
    h = conv(h, W2, b2)
    h = _batch_norm(h, g2, be2)
    h = jax.nn.gelu(h)
    h = conv(h, W3, b3)
    return jax.nn.log_softmax(h, axis=1)

if __name__ == "__main__":
    import jax
    _d = setup_inputs()
    print(jax.jit(kernel)(*tuple(_d.values())))

</pallas_src>

<mosaic_0001>
#map = affine_map<(d0, d1) -> (0, 0)>
#map1 = affine_map<(d0, d1) -> (0, 0, 0)>
module attributes {stable_mosaic.version = 14 : i64} {
  func.func @agg_kernel(%arg0: i32, %arg1: i32, %arg2: memref<10112x16xf32, #tpu.memory_space<hbm>>, %arg3: memref<32x80x250xi32, #tpu.memory_space<hbm>>, %arg4: memref<32x80x250xi32, #tpu.memory_space<hbm>>, %arg5: memref<2x10112x16xf32, #tpu.memory_space<hbm>>, %arg6: memref<10112x16xf32, #tpu.memory_space<vmem_shared>>, %arg7: memref<10112x16xf32, #tpu.memory_space<vmem_shared>>, %arg8: memref<80x250xi32, #tpu.memory_space<vmem>>, %arg9: memref<80x250xi32, #tpu.memory_space<vmem>>, %arg10: memref<250x16xf32, #tpu.memory_space<vmem>>, %arg11: memref<250x16xf32, #tpu.memory_space<vmem>>, %arg12: memref<632x16xf32, #tpu.memory_space<vmem>>, %arg13: memref<!tpu.dma_semaphore, #tpu.memory_space<semaphore_mem>>, %arg14: memref<!tpu.dma_semaphore, #tpu.memory_space<semaphore_mem>>, %arg15: memref<!tpu.dma_semaphore, #tpu.memory_space<semaphore_mem>>, %arg16: memref<!tpu.dma_semaphore, #tpu.memory_space<semaphore_mem>>) attributes {dimension_semantics = [#tpu.dimension_semantics<core_parallel>, #tpu.dimension_semantics<subcore_parallel>], iteration_bounds = array<i64: 2, 16>, scalar_prefetch = 0 : i64, scratch_operands = 11 : i64, tpu.core_type = #tpu.core_type<sc_vector_subcore>, window_params = [{transform_indices = #map}, {transform_indices = #map1}, {transform_indices = #map1}, {transform_indices = #map1}]} {
    %mul3A = arith.constant 16 : i32
    %mul3A_0 = arith.muli %arg0, %mul3A : i32
    %add3A = arith.addi %mul3A_0, %arg1 : i32
    %scan3A = arith.constant 0 : i32
    %scan3A_1 = arith.constant 0 : i32
    %scan3A_2 = arith.constant 632 : i32
    %scan3A_3 = arith.addi %scan3A_1, %scan3A_2 : i32
    %scan3A_4 = arith.constant 1 : i32
    %scan3A_5 = scf.for %scan3A_37 = %scan3A_1 to %scan3A_3 step %scan3A_4 iter_args(%scan3A_38 = %scan3A) -> (i32)  : i32 {
      %broadcast_in_dim3A = arith.constant 0.000000e+00 : f32
      %broadcast_in_dim3A_39 = vector.broadcast %broadcast_in_dim3A : f32 to vector<16xf32>
      %swap3A = arith.index_cast %scan3A_37 : i32 to index
      %swap3A_40 = arith.constant 0 : index
      %swap3A_41 = tpu.vector_load %arg12[%swap3A, %swap3A_40] {strides = array<i32>} : memref<632x16xf32, #tpu.memory_space<vmem>>, vector<1x16xf32>,
      %swap3A_42 = vector.shape_cast %swap3A_41 : vector<1x16xf32> to vector<16xf32>
      %swap3A_43 = vector.shape_cast %broadcast_in_dim3A_39 : vector<16xf32> to vector<1x16xf32>
      tpu.vector_store %arg12[%swap3A, %swap3A_40], %swap3A_43 {strides = array<i32>} : memref<632x16xf32, #tpu.memory_space<vmem>>, vector<1x16xf32>,
      %scan3A_44 = arith.constant 0 : i32
      scf.yield %scan3A_44 : i32
    }
    %scan3A_6 = arith.constant 632 : i32
    %mul3A_7 = arith.constant 632 : i32
    %mul3A_8 = arith.muli %arg1, %mul3A_7 : i32
    "tpu.region"() ({
      %run_scoped3A = tpu.sem_alloc : memref<!tpu.dma_semaphore, #tpu.memory_space<semaphore_mem>>
      %dma_start3A_37 = arith.constant 0 : i32
      %dma_start3A_38 = tpu.memref_slice %arg7[%mul3A_8, %dma_start3A_37] : memref<10112x16xf32, #tpu.memory_space<vmem_shared>> -> memref<632x16xf32, #tpu.memory_space<vmem_shared>>
      %dma_start3A_39 = arith.constant 0 : i32
      %dma_start3A_40 = tpu.memref_slice %arg7[%mul3A_8, %dma_start3A_39] : memref<10112x16xf32, #tpu.memory_space<vmem_shared>> -> memref<632x16xf32, #tpu.memory_space<vmem_shared>>
      tpu.enqueue_dma source(%arg12 : memref<632x16xf32, #tpu.memory_space<vmem>>) target(%dma_start3A_40 : memref<632x16xf32, #tpu.memory_space<vmem_shared>>) target_semaphore(%run_scoped3A : memref<!tpu.dma_semaphore, #tpu.memory_space<semaphore_mem>>)
      %dma_wait3A_41 = arith.constant 0 : i32
      %dma_wait3A_42 = tpu.memref_slice %arg7[%mul3A_8, %dma_wait3A_41] : memref<10112x16xf32, #tpu.memory_space<vmem_shared>> -> memref<632x16xf32, #tpu.memory_space<vmem_shared>>
      %dma_wait3A_43 = arith.constant 0 : i32
      %dma_wait3A_44 = tpu.memref_slice %arg7[%mul3A_8, %dma_wait3A_43] : memref<10112x16xf32, #tpu.memory_space<vmem_shared>> -> memref<632x16xf32, #tpu.memory_space<vmem_shared>>
      tpu.wait_dma2 semaphore(%run_scoped3A : memref<!tpu.dma_semaphore, #tpu.memory_space<semaphore_mem>>) src(%arg12 : memref<632x16xf32, #tpu.memory_space<vmem>>) dst(%dma_wait3A_44 : memref<632x16xf32, #tpu.memory_space<vmem_shared>>)
      tpu.yield
    }) : () -> ()
    %mul3A_9 = arith.constant 632 : i32
    %mul3A_10 = arith.muli %arg1, %mul3A_9 : i32
    %mul3A_11 = arith.constant 632 : i32
    %mul3A_12 = arith.muli %arg1, %mul3A_11 : i32
    "tpu.region"() ({
      %run_scoped3A = tpu.sem_alloc : memref<!tpu.dma_semaphore, #tpu.memory_space<semaphore_mem>>
      %dma_start3A_37 = arith.constant 0 : i32
      %dma_start3A_38 = tpu.memref_slice %arg6[%mul3A_12, %dma_start3A_37] : memref<10112x16xf32, #tpu.memory_space<vmem_shared>> -> memref<632x16xf32, #tpu.memory_space<vmem_shared>>
      %dma_start3A_39 = arith.constant 0 : i32
      %dma_start3A_40 = tpu.memref_slice %arg2[%mul3A_10, %dma_start3A_39] : memref<10112x16xf32, #tpu.memory_space<hbm>> -> memref<632x16xf32, #tpu.memory_space<hbm>>
      tpu.enqueue_dma source(%dma_start3A_40 : memref<632x16xf32, #tpu.memory_space<hbm>>) target(%dma_start3A_38 : memref<632x16xf32, #tpu.memory_space<vmem_shared>>) target_semaphore(%run_scoped3A : memref<!tpu.dma_semaphore, #tpu.memory_space<semaphore_mem>>)
      %dma_wait3A_41 = arith.constant 0 : i32
      %dma_wait3A_42 = tpu.memref_slice %arg6[%mul3A_12, %dma_wait3A_41] : memref<10112x16xf32, #tpu.memory_space<vmem_shared>> -> memref<632x16xf32, #tpu.memory_space<vmem_shared>>
      %dma_wait3A_43 = arith.constant 0 : i32
      %dma_wait3A_44 = tpu.memref_slice %arg2[%mul3A_10, %dma_wait3A_43] : memref<10112x16xf32, #tpu.memory_space<hbm>> -> memref<632x16xf32, #tpu.memory_space<hbm>>
      tpu.wait_dma2 semaphore(%run_scoped3A : memref<!tpu.dma_semaphore, #tpu.memory_space<semaphore_mem>>) src(%dma_wait3A_44 : memref<632x16xf32, #tpu.memory_space<hbm>>) dst(%dma_wait3A_42 : memref<632x16xf32, #tpu.memory_space<vmem_shared>>)
      tpu.yield
    }) : () -> ()
    "tpu.region"() ({
      %run_scoped3A = tpu.sem_alloc : memref<!tpu.dma_semaphore, #tpu.memory_space<semaphore_mem>>
      %dma_start3A_37 = arith.constant 0 : i32
      %dma_start3A_38 = arith.constant 0 : i32
      %dma_start3A_39 = tpu.memref_slice %arg3[%add3A, %dma_start3A_37, %dma_start3A_38] : memref<32x80x250xi32, #tpu.memory_space<hbm>> -> memref<1x80x250xi32, #tpu.memory_space<hbm>>
      %dma_start3A_40 = tpu.memref_squeeze %dma_start3A_39 : memref<1x80x250xi32, #tpu.memory_space<hbm>> -> memref<80x250xi32, #tpu.memory_space<hbm>>
      %dma_start3A_41 = arith.constant 0 : i32
      %dma_start3A_42 = arith.constant 0 : i32
      %dma_start3A_43 = tpu.memref_slice %arg3[%add3A, %dma_start3A_41, %dma_start3A_42] : memref<32x80x250xi32, #tpu.memory_space<hbm>> -> memref<1x80x250xi32, #tpu.memory_space<hbm>>
      %dma_start3A_44 = tpu.memref_squeeze %dma_start3A_43 : memref<1x80x250xi32, #tpu.memory_space<hbm>> -> memref<80x250xi32, #tpu.memory_space<hbm>>
      tpu.enqueue_dma source(%dma_start3A_44 : memref<80x250xi32, #tpu.memory_space<hbm>>) target(%arg8 : memref<80x250xi32, #tpu.memory_space<vmem>>) target_semaphore(%run_scoped3A : memref<!tpu.dma_semaphore, #tpu.memory_space<semaphore_mem>>)
      %dma_wait3A_45 = arith.constant 0 : i32
      %dma_wait3A_46 = arith.constant 0 : i32
      %dma_wait3A_47 = tpu.memref_slice %arg3[%add3A, %dma_wait3A_45, %dma_wait3A_46] : memref<32x80x250xi32, #tpu.memory_space<hbm>> -> memref<1x80x250xi32, #tpu.memory_space<hbm>>
      %dma_wait3A_48 = tpu.memref_squeeze %dma_wait3A_47 : memref<1x80x250xi32, #tpu.memory_space<hbm>> -> memref<80x250xi32, #tpu.memory_space<hbm>>
      %dma_wait3A_49 = arith.constant 0 : i32
      %dma_wait3A_50 = arith.constant 0 : i32
      %dma_wait3A_51 = tpu.memref_slice %arg3[%add3A, %dma_wait3A_49, %dma_wait3A_50] : memref<32x80x250xi32, #tpu.memory_space<hbm>> -> memref<1x80x250xi32, #tpu.memory_space<hbm>>
      %dma_wait3A_52 = tpu.memref_squeeze %dma_wait3A_51 : memref<1x80x250xi32, #tpu.memory_space<hbm>> -> memref<80x250xi32, #tpu.memory_space<hbm>>
      tpu.wait_dma2 semaphore(%run_scoped3A : memref<!tpu.dma_semaphore, #tpu.memory_space<semaphore_mem>>) src(%dma_wait3A_52 : memref<80x250xi32, #tpu.memory_space<hbm>>) dst(%arg8 : memref<80x250xi32, #tpu.memory_space<vmem>>)
      tpu.yield
    }) : () -> ()
    "tpu.region"() ({
      %run_scoped3A = tpu.sem_alloc : memref<!tpu.dma_semaphore, #tpu.memory_space<semaphore_mem>>
      %dma_start3A_37 = arith.constant 0 : i32
      %dma_start3A_38 = arith.constant 0 : i32
      %dma_start3A_39 = tpu.memref_slice %arg4[%add3A, %dma_start3A_37, %dma_start3A_38] : memref<32x80x250xi32, #tpu.memory_space<hbm>> -> memref<1x80x250xi32, #tpu.memory_space<hbm>>
      %dma_start3A_40 = tpu.memref_squeeze %dma_start3A_39 : memref<1x80x250xi32, #tpu.memory_space<hbm>> -> memref<80x250xi32, #tpu.memory_space<hbm>>
      %dma_start3A_41 = arith.constant 0 : i32
      %dma_start3A_42 = arith.constant 0 : i32
      %dma_start3A_43 = tpu.memref_slice %arg4[%add3A, %dma_start3A_41, %dma_start3A_42] : memref<32x80x250xi32, #tpu.memory_space<hbm>> -> memref<1x80x250xi32, #tpu.memory_space<hbm>>
      %dma_start3A_44 = tpu.memref_squeeze %dma_start3A_43 : memref<1x80x250xi32, #tpu.memory_space<hbm>> -> memref<80x250xi32, #tpu.memory_space<hbm>>
      tpu.enqueue_dma source(%dma_start3A_44 : memref<80x250xi32, #tpu.memory_space<hbm>>) target(%arg9 : memref<80x250xi32, #tpu.memory_space<vmem>>) target_semaphore(%run_scoped3A : memref<!tpu.dma_semaphore, #tpu.memory_space<semaphore_mem>>)
      %dma_wait3A_45 = arith.constant 0 : i32
      %dma_wait3A_46 = arith.constant 0 : i32
      %dma_wait3A_47 = tpu.memref_slice %arg4[%add3A, %dma_wait3A_45, %dma_wait3A_46] : memref<32x80x250xi32, #tpu.memory_space<hbm>> -> memref<1x80x250xi32, #tpu.memory_space<hbm>>
      %dma_wait3A_48 = tpu.memref_squeeze %dma_wait3A_47 : memref<1x80x250xi32, #tpu.memory_space<hbm>> -> memref<80x250xi32, #tpu.memory_space<hbm>>
      %dma_wait3A_49 = arith.constant 0 : i32
      %dma_wait3A_50 = arith.constant 0 : i32
      %dma_wait3A_51 = tpu.memref_slice %arg4[%add3A, %dma_wait3A_49, %dma_wait3A_50] : memref<32x80x250xi32, #tpu.memory_space<hbm>> -> memref<1x80x250xi32, #tpu.memory_space<hbm>>
      %dma_wait3A_52 = tpu.memref_squeeze %dma_wait3A_51 : memref<1x80x250xi32, #tpu.memory_space<hbm>> -> memref<80x250xi32, #tpu.memory_space<hbm>>
      tpu.wait_dma2 semaphore(%run_scoped3A : memref<!tpu.dma_semaphore, #tpu.memory_space<semaphore_mem>>) src(%dma_wait3A_52 : memref<80x250xi32, #tpu.memory_space<hbm>>) dst(%arg9 : memref<80x250xi32, #tpu.memory_space<vmem>>)
      tpu.yield
    }) : () -> ()
    %barrier3A = arith.constant 0 : index
    tpu.barrier barrier_id(%barrier3A)
    %dma_start3A = arith.constant 0 : i32
    %dma_start3A_13 = arith.constant 0 : i32
    %dma_start3A_14 = tpu.memref_slice %arg8[%dma_start3A, %dma_start3A_13] : memref<80x250xi32, #tpu.memory_space<vmem>> -> memref<1x250xi32, #tpu.memory_space<vmem>>
    %dma_start3A_15 = tpu.memref_squeeze %dma_start3A_14 : memref<1x250xi32, #tpu.memory_space<vmem>> -> memref<250xi32, #tpu.memory_space<vmem>>
    %dma_start3A_16 = arith.constant 0 : i32
    %dma_start3A_17 = arith.constant 0 : i32
    %dma_start3A_18 = tpu.memref_slice %arg6[%dma_start3A_16, %dma_start3A_17] : memref<10112x16xf32, #tpu.memory_space<vmem_shared>> -> memref<10112x16xf32, #tpu.memory_space<vmem_shared>>
    tpu.enqueue_indirect_dma source(%dma_start3A_18 : memref<10112x16xf32, #tpu.memory_space<vmem_shared>>) target(%arg10 : memref<250x16xf32, #tpu.memory_space<vmem>>) offsets(%dma_start3A_15 : memref<250xi32, #tpu.memory_space<vmem>>) semaphore(%arg13 : memref<!tpu.dma_semaphore, #tpu.memory_space<semaphore_mem>>)
    %scan3A_19 = arith.constant 0 : i32
    %scan3A_20 = arith.constant 0 : i32
    %scan3A_21 = arith.constant 40 : i32
    %scan3A_22 = arith.addi %scan3A_20, %scan3A_21 : i32
    %scan3A_23 = arith.constant 1 : i32
    %scan3A_24 = scf.for %scan3A_37 = %scan3A_20 to %scan3A_22 step %scan3A_23 iter_args(%scan3A_38 = %scan3A_19) -> (i32)  : i32 {
      %mul3A_39 = arith.constant 2 : i32
      %mul3A_40 = arith.muli %mul3A_39, %scan3A_37 : i32
      %dma_wait3A_41 = arith.constant 0 : i32
      %dma_wait3A_42 = tpu.memref_slice %arg8[%mul3A_40, %dma_wait3A_41] : memref<80x250xi32, #tpu.memory_space<vmem>> -> memref<1x250xi32, #tpu.memory_space<vmem>>
      %dma_wait3A_43 = tpu.memref_squeeze %dma_wait3A_42 : memref<1x250xi32, #tpu.memory_space<vmem>> -> memref<250xi32, #tpu.memory_space<vmem>>
      %dma_wait3A_44 = arith.constant 0 : i32
      %dma_wait3A_45 = arith.constant 0 : i32
      %dma_wait3A_46 = tpu.memref_slice %arg6[%dma_wait3A_44, %dma_wait3A_45] : memref<10112x16xf32, #tpu.memory_space<vmem_shared>> -> memref<10112x16xf32, #tpu.memory_space<vmem_shared>>
      tpu.wait_indirect_dma semaphore(%arg13 : memref<!tpu.dma_semaphore, #tpu.memory_space<semaphore_mem>>) src(%dma_wait3A_46 : memref<10112x16xf32, #tpu.memory_space<vmem_shared>>) dst(%arg10 : memref<250x16xf32, #tpu.memory_space<vmem>>)
      %gt3A = arith.constant 0 : i32
      %gt3A_47 = arith.cmpi sgt, %scan3A_37, %gt3A : i32
      %convert_element_type3A = arith.extui %gt3A_47 : i1 to i32
      %cond3A = arith.constant 0 : i32
      %cond3A_48 = arith.cmpi ne, %convert_element_type3A, %cond3A : i32
      scf.if %cond3A_48 {
        %dma_wait3A_90 = arith.constant 0 : i32
        %dma_wait3A_91 = tpu.memref_slice %arg9[%mul3A_40, %dma_wait3A_90] : memref<80x250xi32, #tpu.memory_space<vmem>> -> memref<1x250xi32, #tpu.memory_space<vmem>>
        %dma_wait3A_92 = tpu.memref_squeeze %dma_wait3A_91 : memref<1x250xi32, #tpu.memory_space<vmem>> -> memref<250xi32, #tpu.memory_space<vmem>>
        %dma_wait3A_93 = arith.constant 0 : i32
        %dma_wait3A_94 = arith.constant 0 : i32
        %dma_wait3A_95 = tpu.memref_slice %arg7[%dma_wait3A_93, %dma_wait3A_94] : memref<10112x16xf32, #tpu.memory_space<vmem_shared>> -> memref<10112x16xf32, #tpu.memory_space<vmem_shared>>
        tpu.wait_indirect_dma semaphore(%arg16 : memref<!tpu.dma_semaphore, #tpu.memory_space<semaphore_mem>>) src(%arg11 : memref<250x16xf32, #tpu.memory_space<vmem>>) dst(%dma_wait3A_95 : memref<10112x16xf32, #tpu.memory_space<vmem_shared>>)
      } else {
      }
      %add3A_49 = arith.constant 1 : i32
      %add3A_50 = arith.addi %mul3A_40, %add3A_49 : i32
      %dma_start3A_51 = arith.constant 0 : i32
      %dma_start3A_52 = tpu.memref_slice %arg8[%add3A_50, %dma_start3A_51] : memref<80x250xi32, #tpu.memory_space<vmem>> -> memref<1x250xi32, #tpu.memory_space<vmem>>
      %dma_start3A_53 = tpu.memref_squeeze %dma_start3A_52 : memref<1x250xi32, #tpu.memory_space<vmem>> -> memref<250xi32, #tpu.memory_space<vmem>>
      %dma_start3A_54 = arith.constant 0 : i32
      %dma_start3A_55 = arith.constant 0 : i32
      %dma_start3A_56 = tpu.memref_slice %arg6[%dma_start3A_54, %dma_start3A_55] : memref<10112x16xf32, #tpu.memory_space<vmem_shared>> -> memref<10112x16xf32, #tpu.memory_space<vmem_shared>>
      tpu.enqueue_indirect_dma source(%dma_start3A_56 : memref<10112x16xf32, #tpu.memory_space<vmem_shared>>) target(%arg11 : memref<250x16xf32, #tpu.memory_space<vmem>>) offsets(%dma_start3A_53 : memref<250xi32, #tpu.memory_space<vmem>>) semaphore(%arg14 : memref<!tpu.dma_semaphore, #tpu.memory_space<semaphore_mem>>)
      %dma_start3A_57 = arith.constant 0 : i32
      %dma_start3A_58 = tpu.memref_slice %arg9[%mul3A_40, %dma_start3A_57] : memref<80x250xi32, #tpu.memory_space<vmem>> -> memref<1x250xi32, #tpu.memory_space<vmem>>
      %dma_start3A_59 = tpu.memref_squeeze %dma_start3A_58 : memref<1x250xi32, #tpu.memory_space<vmem>> -> memref<250xi32, #tpu.memory_space<vmem>>
      %dma_start3A_60 = arith.constant 0 : i32
      %dma_start3A_61 = arith.constant 0 : i32
      %dma_start3A_62 = tpu.memref_slice %arg7[%dma_start3A_60, %dma_start3A_61] : memref<10112x16xf32, #tpu.memory_space<vmem_shared>> -> memref<10112x16xf32, #tpu.memory_space<vmem_shared>>
      tpu.enqueue_indirect_dma source(%arg10 : memref<250x16xf32, #tpu.memory_space<vmem>>) target(%dma_start3A_62 : memref<10112x16xf32, #tpu.memory_space<vmem_shared>>) offsets(%dma_start3A_59 : memref<250xi32, #tpu.memory_space<vmem>>) semaphore(%arg15 : memref<!tpu.dma_semaphore, #tpu.memory_space<semaphore_mem>>) {add = true}
      %dma_wait3A_63 = arith.constant 0 : i32
      %dma_wait3A_64 = tpu.memref_slice %arg8[%mul3A_40, %dma_wait3A_63] : memref<80x250xi32, #tpu.memory_space<vmem>> -> memref<1x250xi32, #tpu.memory_space<vmem>>
      %dma_wait3A_65 = tpu.memref_squeeze %dma_wait3A_64 : memref<1x250xi32, #tpu.memory_space<vmem>> -> memref<250xi32, #tpu.memory_space<vmem>>
      %dma_wait3A_66 = arith.constant 0 : i32
      %dma_wait3A_67 = arith.constant 0 : i32
      %dma_wait3A_68 = tpu.memref_slice %arg6[%dma_wait3A_66, %dma_wait3A_67] : memref<10112x16xf32, #tpu.memory_space<vmem_shared>> -> memref<10112x16xf32, #tpu.memory_space<vmem_shared>>
      tpu.wait_indirect_dma semaphore(%arg14 : memref<!tpu.dma_semaphore, #tpu.memory_space<semaphore_mem>>) src(%dma_wait3A_68 : memref<10112x16xf32, #tpu.memory_space<vmem_shared>>) dst(%arg11 : memref<250x16xf32, #tpu.memory_space<vmem>>)
      %dma_wait3A_69 = arith.constant 0 : i32
      %dma_wait3A_70 = tpu.memref_slice %arg9[%mul3A_40, %dma_wait3A_69] : memref<80x250xi32, #tpu.memory_space<vmem>> -> memref<1x250xi32, #tpu.memory_space<vmem>>
      %dma_wait3A_71 = tpu.memref_squeeze %dma_wait3A_70 : memref<1x250xi32, #tpu.memory_space<vmem>> -> memref<250xi32, #tpu.memory_space<vmem>>
      %dma_wait3A_72 = arith.constant 0 : i32
      %dma_wait3A_73 = arith.constant 0 : i32
      %dma_wait3A_74 = tpu.memref_slice %arg7[%dma_wait3A_72, %dma_wait3A_73] : memref<10112x16xf32, #tpu.memory_space<vmem_shared>> -> memref<10112x16xf32, #tpu.memory_space<vmem_shared>>
      tpu.wait_indirect_dma semaphore(%arg15 : memref<!tpu.dma_semaphore, #tpu.memory_space<semaphore_mem>>) src(%arg10 : memref<250x16xf32, #tpu.memory_space<vmem>>) dst(%dma_wait3A_74 : memref<10112x16xf32, #tpu.memory_space<vmem_shared>>)
      %add3A_75 = arith.constant 1 : i32
      %add3A_76 = arith.addi %scan3A_37, %add3A_75 : i32
      %lt3A = arith.constant 40 : i32
      %lt3A_77 = arith.cmpi slt, %add3A_76, %lt3A : i32
      %convert_element_type3A_78 = arith.extui %lt3A_77 : i1 to i32
      %cond3A_79 = arith.constant 0 : i32
      %cond3A_80 = arith.cmpi ne, %convert_element_type3A_78, %cond3A_79 : i32
      scf.if %cond3A_80 {
        %add3A_90 = arith.constant 2 : i32
        %add3A_91 = arith.addi %mul3A_40, %add3A_90 : i32
        %dma_start3A_92 = arith.constant 0 : i32
        %dma_start3A_93 = tpu.memref_slice %arg8[%add3A_91, %dma_start3A_92] : memref<80x250xi32, #tpu.memory_space<vmem>> -> memref<1x250xi32, #tpu.memory_space<vmem>>
        %dma_start3A_94 = tpu.memref_squeeze %dma_start3A_93 : memref<1x250xi32, #tpu.memory_space<vmem>> -> memref<250xi32, #tpu.memory_space<vmem>>
        %dma_start3A_95 = arith.constant 0 : i32
        %dma_start3A_96 = arith.constant 0 : i32
        %dma_start3A_97 = tpu.memref_slice %arg6[%dma_start3A_95, %dma_start3A_96] : memref<10112x16xf32, #tpu.memory_space<vmem_shared>> -> memref<10112x16xf32, #tpu.memory_space<vmem_shared>>
        tpu.enqueue_indirect_dma source(%dma_start3A_97 : memref<10112x16xf32, #tpu.memory_space<vmem_shared>>) target(%arg10 : memref<250x16xf32, #tpu.memory_space<vmem>>) offsets(%dma_start3A_94 : memref<250xi32, #tpu.memory_space<vmem>>) semaphore(%arg13 : memref<!tpu.dma_semaphore, #tpu.memory_space<semaphore_mem>>)
      } else {
      }
      %add3A_81 = arith.constant 1 : i32
      %add3A_82 = arith.addi %mul3A_40, %add3A_81 : i32
      %dma_start3A_83 = arith.constant 0 : i32
      %dma_start3A_84 = tpu.memref_slice %arg9[%add3A_82, %dma_start3A_83] : memref<80x250xi32, #tpu.memory_space<vmem>> -> memref<1x250xi32, #tpu.memory_space<vmem>>
      %dma_start3A_85 = tpu.memref_squeeze %dma_start3A_84 : memref<1x250xi32, #tpu.memory_space<vmem>> -> memref<250xi32, #tpu.memory_space<vmem>>
      %dma_start3A_86 = arith.constant 0 : i32
      %dma_start3A_87 = arith.constant 0 : i32
      %dma_start3A_88 = tpu.memref_slice %arg7[%dma_start3A_86, %dma_start3A_87] : memref<10112x16xf32, #tpu.memory_space<vmem_shared>> -> memref<10112x16xf32, #tpu.memory_space<vmem_shared>>
      tpu.enqueue_indirect_dma source(%arg11 : memref<250x16xf32, #tpu.memory_space<vmem>>) target(%dma_start3A_88 : memref<10112x16xf32, #tpu.memory_space<vmem_shared>>) offsets(%dma_start3A_85 : memref<250xi32, #tpu.memory_space<vmem>>) semaphore(%arg16 : memref<!tpu.dma_semaphore, #tpu.memory_space<semaphore_mem>>) {add = true}
      %scan3A_89 = arith.constant 0 : i32
      scf.yield %scan3A_89 : i32
    }
    %scan3A_25 = arith.constant 40 : i32
    %dma_wait3A = arith.constant 0 : i32
    %dma_wait3A_26 = arith.constant 0 : i32
    %dma_wait3A_27 = tpu.memref_slice %arg9[%dma_wait3A, %dma_wait3A_26] : memref<80x250xi32, #tpu.memory_space<vmem>> -> memref<1x250xi32, #tpu.memory_space<vmem>>
    %dma_wait3A_28 = tpu.memref_squeeze %dma_wait3A_27 : memref<1x250xi32, #tpu.memory_space<vmem>> -> memref<250xi32, #tpu.memory_space<vmem>>
    %dma_wait3A_29 = arith.constant 0 : i32
    %dma_wait3A_30 = arith.constant 0 : i32
    %dma_wait3A_31 = tpu.memref_slice %arg7[%dma_wait3A_29, %dma_wait3A_30] : memref<10112x16xf32, #tpu.memory_space<vmem_shared>> -> memref<10112x16xf32, #tpu.memory_space<vmem_shared>>
    tpu.wait_indirect_dma semaphore(%arg16 : memref<!tpu.dma_semaphore, #tpu.memory_space<semaphore_mem>>) src(%arg11 : memref<250x16xf32, #tpu.memory_space<vmem>>) dst(%dma_wait3A_31 : memref<10112x16xf32, #tpu.memory_space<vmem_shared>>)
    %barrier3A_32 = arith.constant 0 : index
    tpu.barrier barrier_id(%barrier3A_32)
    %mul3A_33 = arith.constant 632 : i32
    %mul3A_34 = arith.muli %arg1, %mul3A_33 : i32
    %mul3A_35 = arith.constant 632 : i32
    %mul3A_36 = arith.muli %arg1, %mul3A_35 : i32
    "tpu.region"() ({
      %run_scoped3A = tpu.sem_alloc : memref<!tpu.dma_semaphore, #tpu.memory_space<semaphore_mem>>
      %dma_start3A_37 = arith.constant 0 : i32
      %dma_start3A_38 = tpu.memref_slice %arg5[%arg0, %mul3A_36, %dma_start3A_37] : memref<2x10112x16xf32, #tpu.memory_space<hbm>> -> memref<1x632x16xf32, #tpu.memory_space<hbm>>
      %dma_start3A_39 = tpu.memref_squeeze %dma_start3A_38 : memref<1x632x16xf32, #tpu.memory_space<hbm>> -> memref<632x16xf32, #tpu.memory_space<hbm>>
      %dma_start3A_40 = arith.constant 0 : i32
      %dma_start3A_41 = tpu.memref_slice %arg7[%mul3A_34, %dma_start3A_40] : memref<10112x16xf32, #tpu.memory_space<vmem_shared>> -> memref<632x16xf32, #tpu.memory_space<vmem_shared>>
      tpu.enqueue_dma source(%dma_start3A_41 : memref<632x16xf32, #tpu.memory_space<vmem_shared>>) target(%dma_start3A_39 : memref<632x16xf32, #tpu.memory_space<hbm>>) target_semaphore(%run_scoped3A : memref<!tpu.dma_semaphore, #tpu.memory_space<semaphore_mem>>)
      %dma_wait3A_42 = arith.constant 0 : i32
      %dma_wait3A_43 = tpu.memref_slice %arg5[%arg0, %mul3A_36, %dma_wait3A_42] : memref<2x10112x16xf32, #tpu.memory_space<hbm>> -> memref<1x632x16xf32, #tpu.memory_space<hbm>>
      %dma_wait3A_44 = tpu.memref_squeeze %dma_wait3A_43 : memref<1x632x16xf32, #tpu.memory_space<hbm>> -> memref<632x16xf32, #tpu.memory_space<hbm>>
      %dma_wait3A_45 = arith.constant 0 : i32
      %dma_wait3A_46 = tpu.memref_slice %arg7[%mul3A_34, %dma_wait3A_45] : memref<10112x16xf32, #tpu.memory_space<vmem_shared>> -> memref<632x16xf32, #tpu.memory_space<vmem_shared>>
      tpu.wait_dma2 semaphore(%run_scoped3A : memref<!tpu.dma_semaphore, #tpu.memory_space<semaphore_mem>>) src(%dma_wait3A_46 : memref<632x16xf32, #tpu.memory_space<vmem_shared>>) dst(%dma_wait3A_44 : memref<632x16xf32, #tpu.memory_space<hbm>>)
      tpu.yield
    }) : () -> ()
    return
  }
}

#map = affine_map<(d0, d1) -> (0, 0, 0)>
#map1 = affine_map<(d0, d1) -> (0, 0)>
module attributes {stable_mosaic.version = 14 : i64} {
  func.func @deg_kernel(%arg0: i32, %arg1: i32, %arg2: memref<32x80x250xi32, #tpu.memory_space<hbm>>, %arg3: memref<250x8xf32, #tpu.memory_space<hbm>>, %arg4: memref<632x8xf32, #tpu.memory_space<hbm>>, %arg5: memref<2x10112x8xf32, #tpu.memory_space<hbm>>, %arg6: memref<10112x8xf32, #tpu.memory_space<vmem_shared>>, %arg7: memref<80x250xi32, #tpu.memory_space<vmem>>, %arg8: memref<250x8xf32, #tpu.memory_space<vmem>>, %arg9: memref<!tpu.dma_semaphore, #tpu.memory_space<semaphore_mem>>) attributes {dimension_semantics = [#tpu.dimension_semantics<core_parallel>, #tpu.dimension_semantics<subcore_parallel>], iteration_bounds = array<i64: 2, 16>, scalar_prefetch = 0 : i64, scratch_operands = 4 : i64, tpu.core_type = #tpu.core_type<sc_vector_subcore>, window_params = [{transform_indices = #map}, {transform_indices = #map1}, {transform_indices = #map1}, {transform_indices = #map}]} {
    %mul3A = arith.constant 16 : i32
    %mul3A_0 = arith.muli %arg0, %mul3A : i32
    %add3A = arith.addi %mul3A_0, %arg1 : i32
    "tpu.region"() ({
      %run_scoped3A = tpu.sem_alloc : memref<!tpu.dma_semaphore, #tpu.memory_space<semaphore_mem>>
      tpu.enqueue_dma source(%arg3 : memref<250x8xf32, #tpu.memory_space<hbm>>) target(%arg8 : memref<250x8xf32, #tpu.memory_space<vmem>>) target_semaphore(%run_scoped3A : memref<!tpu.dma_semaphore, #tpu.memory_space<semaphore_mem>>)
      tpu.wait_dma2 semaphore(%run_scoped3A : memref<!tpu.dma_semaphore, #tpu.memory_space<semaphore_mem>>) src(%arg3 : memref<250x8xf32, #tpu.memory_space<hbm>>) dst(%arg8 : memref<250x8xf32, #tpu.memory_space<vmem>>)
      tpu.yield
    }) : () -> ()
    %mul3A_1 = arith.constant 632 : i32
    %mul3A_2 = arith.muli %arg1, %mul3A_1 : i32
    "tpu.region"() ({
      %run_scoped3A = tpu.sem_alloc : memref<!tpu.dma_semaphore, #tpu.memory_space<semaphore_mem>>
      %dma_start3A = arith.constant 0 : i32
      %dma_start3A_14 = tpu.memref_slice %arg6[%mul3A_2, %dma_start3A] : memref<10112x8xf32, #tpu.memory_space<vmem_shared>> -> memref<632x8xf32, #tpu.memory_space<vmem_shared>>
      tpu.enqueue_dma source(%arg4 : memref<632x8xf32, #tpu.memory_space<hbm>>) target(%dma_start3A_14 : memref<632x8xf32, #tpu.memory_space<vmem_shared>>) target_semaphore(%run_scoped3A : memref<!tpu.dma_semaphore, #tpu.memory_space<semaphore_mem>>)
      %dma_wait3A = arith.constant 0 : i32
      %dma_wait3A_15 = tpu.memref_slice %arg6[%mul3A_2, %dma_wait3A] : memref<10112x8xf32, #tpu.memory_space<vmem_shared>> -> memref<632x8xf32, #tpu.memory_space<vmem_shared>>
      tpu.wait_dma2 semaphore(%run_scoped3A : memref<!tpu.dma_semaphore, #tpu.memory_space<semaphore_mem>>) src(%arg4 : memref<632x8xf32, #tpu.memory_space<hbm>>) dst(%dma_wait3A_15 : memref<632x8xf32, #tpu.memory_space<vmem_shared>>)
      tpu.yield
    }) : () -> ()
    %barrier3A = arith.constant 0 : index
    tpu.barrier barrier_id(%barrier3A)
    "tpu.region"() ({
      %run_scoped3A = tpu.sem_alloc : memref<!tpu.dma_semaphore, #tpu.memory_space<semaphore_mem>>
      %dma_start3A = arith.constant 0 : i32
      %dma_start3A_14 = arith.constant 0 : i32
      %dma_start3A_15 = tpu.memref_slice %arg2[%add3A, %dma_start3A, %dma_start3A_14] : memref<32x80x250xi32, #tpu.memory_space<hbm>> -> memref<1x80x250xi32, #tpu.memory_space<hbm>>
      %dma_start3A_16 = tpu.memref_squeeze %dma_start3A_15 : memref<1x80x250xi32, #tpu.memory_space<hbm>> -> memref<80x250xi32, #tpu.memory_space<hbm>>
      %dma_start3A_17 = arith.constant 0 : i32
      %dma_start3A_18 = arith.constant 0 : i32
      %dma_start3A_19 = tpu.memref_slice %arg2[%add3A, %dma_start3A_17, %dma_start3A_18] : memref<32x80x250xi32, #tpu.memory_space<hbm>> -> memref<1x80x250xi32, #tpu.memory_space<hbm>>
      %dma_start3A_20 = tpu.memref_squeeze %dma_start3A_19 : memref<1x80x250xi32, #tpu.memory_space<hbm>> -> memref<80x250xi32, #tpu.memory_space<hbm>>
      tpu.enqueue_dma source(%dma_start3A_20 : memref<80x250xi32, #tpu.memory_space<hbm>>) target(%arg7 : memref<80x250xi32, #tpu.memory_space<vmem>>) target_semaphore(%run_scoped3A : memref<!tpu.dma_semaphore, #tpu.memory_space<semaphore_mem>>)
      %dma_wait3A = arith.constant 0 : i32
      %dma_wait3A_21 = arith.constant 0 : i32
      %dma_wait3A_22 = tpu.memref_slice %arg2[%add3A, %dma_wait3A, %dma_wait3A_21] : memref<32x80x250xi32, #tpu.memory_space<hbm>> -> memref<1x80x250xi32, #tpu.memory_space<hbm>>
      %dma_wait3A_23 = tpu.memref_squeeze %dma_wait3A_22 : memref<1x80x250xi32, #tpu.memory_space<hbm>> -> memref<80x250xi32, #tpu.memory_space<hbm>>
      %dma_wait3A_24 = arith.constant 0 : i32
      %dma_wait3A_25 = arith.constant 0 : i32
      %dma_wait3A_26 = tpu.memref_slice %arg2[%add3A, %dma_wait3A_24, %dma_wait3A_25] : memref<32x80x250xi32, #tpu.memory_space<hbm>> -> memref<1x80x250xi32, #tpu.memory_space<hbm>>
      %dma_wait3A_27 = tpu.memref_squeeze %dma_wait3A_26 : memref<1x80x250xi32, #tpu.memory_space<hbm>> -> memref<80x250xi32, #tpu.memory_space<hbm>>
      tpu.wait_dma2 semaphore(%run_scoped3A : memref<!tpu.dma_semaphore, #tpu.memory_space<semaphore_mem>>) src(%dma_wait3A_27 : memref<80x250xi32, #tpu.memory_space<hbm>>) dst(%arg7 : memref<80x250xi32, #tpu.memory_space<vmem>>)
      tpu.yield
    }) : () -> ()
    %scan3A = arith.constant 0 : i32
    %scan3A_3 = arith.constant 0 : i32
    %scan3A_4 = arith.constant 20 : i32
    %scan3A_5 = arith.addi %scan3A_3, %scan3A_4 : i32
    %scan3A_6 = arith.constant 1 : i32
    %scan3A_7 = scf.for %scan3A_14 = %scan3A_3 to %scan3A_5 step %scan3A_6 iter_args(%scan3A_15 = %scan3A) -> (i32)  : i32 {
      %mul3A_16 = arith.constant 4 : i32
      %mul3A_17 = arith.muli %mul3A_16, %scan3A_14 : i32
      %add3A_18 = arith.constant 0 : i32
      %add3A_19 = arith.addi %mul3A_17, %add3A_18 : i32
      %dma_start3A = arith.constant 0 : i32
      %dma_start3A_20 = tpu.memref_slice %arg7[%add3A_19, %dma_start3A] : memref<80x250xi32, #tpu.memory_space<vmem>> -> memref<1x250xi32, #tpu.memory_space<vmem>>
      %dma_start3A_21 = tpu.memref_squeeze %dma_start3A_20 : memref<1x250xi32, #tpu.memory_space<vmem>> -> memref<250xi32, #tpu.memory_space<vmem>>
      %dma_start3A_22 = arith.constant 0 : i32
      %dma_start3A_23 = arith.constant 0 : i32
      %dma_start3A_24 = tpu.memref_slice %arg6[%dma_start3A_22, %dma_start3A_23] : memref<10112x8xf32, #tpu.memory_space<vmem_shared>> -> memref<10112x8xf32, #tpu.memory_space<vmem_shared>>
      tpu.enqueue_indirect_dma source(%arg8 : memref<250x8xf32, #tpu.memory_space<vmem>>) target(%dma_start3A_24 : memref<10112x8xf32, #tpu.memory_space<vmem_shared>>) offsets(%dma_start3A_21 : memref<250xi32, #tpu.memory_space<vmem>>) semaphore(%arg9 : memref<!tpu.dma_semaphore, #tpu.memory_space<semaphore_mem>>) {add = true}
      %mul3A_25 = arith.constant 4 : i32
      %mul3A_26 = arith.muli %mul3A_25, %scan3A_14 : i32
      %add3A_27 = arith.constant 1 : i32
      %add3A_28 = arith.addi %mul3A_26, %add3A_27 : i32
      %dma_start3A_29 = arith.constant 0 : i32
      %dma_start3A_30 = tpu.memref_slice %arg7[%add3A_28, %dma_start3A_29] : memref<80x250xi32, #tpu.memory_space<vmem>> -> memref<1x250xi32, #tpu.memory_space<vmem>>
      %dma_start3A_31 = tpu.memref_squeeze %dma_start3A_30 : memref<1x250xi32, #tpu.memory_space<vmem>> -> memref<250xi32, #tpu.memory_space<vmem>>
      %dma_start3A_32 = arith.constant 0 : i32
      %dma_start3A_33 = arith.constant 0 : i32
      %dma_start3A_34 = tpu.memref_slice %arg6[%dma_start3A_32, %dma_start3A_33] : memref<10112x8xf32, #tpu.memory_space<vmem_shared>> -> memref<10112x8xf32, #tpu.memory_space<vmem_shared>>
      tpu.enqueue_indirect_dma source(%arg8 : memref<250x8xf32, #tpu.memory_space<vmem>>) target(%dma_start3A_34 : memref<10112x8xf32, #tpu.memory_space<vmem_shared>>) offsets(%dma_start3A_31 : memref<250xi32, #tpu.memory_space<vmem>>) semaphore(%arg9 : memref<!tpu.dma_semaphore, #tpu.memory_space<semaphore_mem>>) {add = true}
      %mul3A_35 = arith.constant 4 : i32
      %mul3A_36 = arith.muli %mul3A_35, %scan3A_14 : i32
      %add3A_37 = arith.constant 2 : i32
      %add3A_38 = arith.addi %mul3A_36, %add3A_37 : i32
      %dma_start3A_39 = arith.constant 0 : i32
      %dma_start3A_40 = tpu.memref_slice %arg7[%add3A_38, %dma_start3A_39] : memref<80x250xi32, #tpu.memory_space<vmem>> -> memref<1x250xi32, #tpu.memory_space<vmem>>
      %dma_start3A_41 = tpu.memref_squeeze %dma_start3A_40 : memref<1x250xi32, #tpu.memory_space<vmem>> -> memref<250xi32, #tpu.memory_space<vmem>>
      %dma_start3A_42 = arith.constant 0 : i32
      %dma_start3A_43 = arith.constant 0 : i32
      %dma_start3A_44 = tpu.memref_slice %arg6[%dma_start3A_42, %dma_start3A_43] : memref<10112x8xf32, #tpu.memory_space<vmem_shared>> -> memref<10112x8xf32, #tpu.memory_space<vmem_shared>>
      tpu.enqueue_indirect_dma source(%arg8 : memref<250x8xf32, #tpu.memory_space<vmem>>) target(%dma_start3A_44 : memref<10112x8xf32, #tpu.memory_space<vmem_shared>>) offsets(%dma_start3A_41 : memref<250xi32, #tpu.memory_space<vmem>>) semaphore(%arg9 : memref<!tpu.dma_semaphore, #tpu.memory_space<semaphore_mem>>) {add = true}
      %mul3A_45 = arith.constant 4 : i32
      %mul3A_46 = arith.muli %mul3A_45, %scan3A_14 : i32
      %add3A_47 = arith.constant 3 : i32
      %add3A_48 = arith.addi %mul3A_46, %add3A_47 : i32
      %dma_start3A_49 = arith.constant 0 : i32
      %dma_start3A_50 = tpu.memref_slice %arg7[%add3A_48, %dma_start3A_49] : memref<80x250xi32, #tpu.memory_space<vmem>> -> memref<1x250xi32, #tpu.memory_space<vmem>>
      %dma_start3A_51 = tpu.memref_squeeze %dma_start3A_50 : memref<1x250xi32, #tpu.memory_space<vmem>> -> memref<250xi32, #tpu.memory_space<vmem>>
      %dma_start3A_52 = arith.constant 0 : i32
      %dma_start3A_53 = arith.constant 0 : i32
      %dma_start3A_54 = tpu.memref_slice %arg6[%dma_start3A_52, %dma_start3A_53] : memref<10112x8xf32, #tpu.memory_space<vmem_shared>> -> memref<10112x8xf32, #tpu.memory_space<vmem_shared>>
      tpu.enqueue_indirect_dma source(%arg8 : memref<250x8xf32, #tpu.memory_space<vmem>>) target(%dma_start3A_54 : memref<10112x8xf32, #tpu.memory_space<vmem_shared>>) offsets(%dma_start3A_51 : memref<250xi32, #tpu.memory_space<vmem>>) semaphore(%arg9 : memref<!tpu.dma_semaphore, #tpu.memory_space<semaphore_mem>>) {add = true}
      %dma_wait3A = arith.constant 0 : i32
      %dma_wait3A_55 = tpu.memref_slice %arg7[%add3A_19, %dma_wait3A] : memref<80x250xi32, #tpu.memory_space<vmem>> -> memref<1x250xi32, #tpu.memory_space<vmem>>
      %dma_wait3A_56 = tpu.memref_squeeze %dma_wait3A_55 : memref<1x250xi32, #tpu.memory_space<vmem>> -> memref<250xi32, #tpu.memory_space<vmem>>
      %dma_wait3A_57 = arith.constant 0 : i32
      %dma_wait3A_58 = arith.constant 0 : i32
      %dma_wait3A_59 = tpu.memref_slice %arg6[%dma_wait3A_57, %dma_wait3A_58] : memref<10112x8xf32, #tpu.memory_space<vmem_shared>> -> memref<10112x8xf32, #tpu.memory_space<vmem_shared>>
      tpu.wait_indirect_dma semaphore(%arg9 : memref<!tpu.dma_semaphore, #tpu.memory_space<semaphore_mem>>) src(%arg8 : memref<250x8xf32, #tpu.memory_space<vmem>>) dst(%dma_wait3A_59 : memref<10112x8xf32, #tpu.memory_space<vmem_shared>>)
      %dma_wait3A_60 = arith.constant 0 : i32
      %dma_wait3A_61 = tpu.memref_slice %arg7[%add3A_28, %dma_wait3A_60] : memref<80x250xi32, #tpu.memory_space<vmem>> -> memref<1x250xi32, #tpu.memory_space<vmem>>
      %dma_wait3A_62 = tpu.memref_squeeze %dma_wait3A_61 : memref<1x250xi32, #tpu.memory_space<vmem>> -> memref<250xi32, #tpu.memory_space<vmem>>
      %dma_wait3A_63 = arith.constant 0 : i32
      %dma_wait3A_64 = arith.constant 0 : i32
      %dma_wait3A_65 = tpu.memref_slice %arg6[%dma_wait3A_63, %dma_wait3A_64] : memref<10112x8xf32, #tpu.memory_space<vmem_shared>> -> memref<10112x8xf32, #tpu.memory_space<vmem_shared>>
      tpu.wait_indirect_dma semaphore(%arg9 : memref<!tpu.dma_semaphore, #tpu.memory_space<semaphore_mem>>) src(%arg8 : memref<250x8xf32, #tpu.memory_space<vmem>>) dst(%dma_wait3A_65 : memref<10112x8xf32, #tpu.memory_space<vmem_shared>>)
      %dma_wait3A_66 = arith.constant 0 : i32
      %dma_wait3A_67 = tpu.memref_slice %arg7[%add3A_38, %dma_wait3A_66] : memref<80x250xi32, #tpu.memory_space<vmem>> -> memref<1x250xi32, #tpu.memory_space<vmem>>
      %dma_wait3A_68 = tpu.memref_squeeze %dma_wait3A_67 : memref<1x250xi32, #tpu.memory_space<vmem>> -> memref<250xi32, #tpu.memory_space<vmem>>
      %dma_wait3A_69 = arith.constant 0 : i32
      %dma_wait3A_70 = arith.constant 0 : i32
      %dma_wait3A_71 = tpu.memref_slice %arg6[%dma_wait3A_69, %dma_wait3A_70] : memref<10112x8xf32, #tpu.memory_space<vmem_shared>> -> memref<10112x8xf32, #tpu.memory_space<vmem_shared>>
      tpu.wait_indirect_dma semaphore(%arg9 : memref<!tpu.dma_semaphore, #tpu.memory_space<semaphore_mem>>) src(%arg8 : memref<250x8xf32, #tpu.memory_space<vmem>>) dst(%dma_wait3A_71 : memref<10112x8xf32, #tpu.memory_space<vmem_shared>>)
      %dma_wait3A_72 = arith.constant 0 : i32
      %dma_wait3A_73 = tpu.memref_slice %arg7[%add3A_48, %dma_wait3A_72] : memref<80x250xi32, #tpu.memory_space<vmem>> -> memref<1x250xi32, #tpu.memory_space<vmem>>
      %dma_wait3A_74 = tpu.memref_squeeze %dma_wait3A_73 : memref<1x250xi32, #tpu.memory_space<vmem>> -> memref<250xi32, #tpu.memory_space<vmem>>
      %dma_wait3A_75 = arith.constant 0 : i32
      %dma_wait3A_76 = arith.constant 0 : i32
      %dma_wait3A_77 = tpu.memref_slice %arg6[%dma_wait3A_75, %dma_wait3A_76] : memref<10112x8xf32, #tpu.memory_space<vmem_shared>> -> memref<10112x8xf32, #tpu.memory_space<vmem_shared>>
      tpu.wait_indirect_dma semaphore(%arg9 : memref<!tpu.dma_semaphore, #tpu.memory_space<semaphore_mem>>) src(%arg8 : memref<250x8xf32, #tpu.memory_space<vmem>>) dst(%dma_wait3A_77 : memref<10112x8xf32, #tpu.memory_space<vmem_shared>>)
      %scan3A_78 = arith.constant 0 : i32
      scf.yield %scan3A_78 : i32
    }
    %scan3A_8 = arith.constant 20 : i32
    %barrier3A_9 = arith.constant 0 : index
    tpu.barrier barrier_id(%barrier3A_9)
    %mul3A_10 = arith.constant 632 : i32
    %mul3A_11 = arith.muli %arg1, %mul3A_10 : i32
    %mul3A_12 = arith.constant 632 : i32
    %mul3A_13 = arith.muli %arg1, %mul3A_12 : i32
    "tpu.region"() ({
      %run_scoped3A = tpu.sem_alloc : memref<!tpu.dma_semaphore, #tpu.memory_space<semaphore_mem>>
      %dma_start3A = arith.constant 0 : i32
      %dma_start3A_14 = tpu.memref_slice %arg5[%arg0, %mul3A_13, %dma_start3A] : memref<2x10112x8xf32, #tpu.memory_space<hbm>> -> memref<1x632x8xf32, #tpu.memory_space<hbm>>
      %dma_start3A_15 = tpu.memref_squeeze %dma_start3A_14 : memref<1x632x8xf32, #tpu.memory_space<hbm>> -> memref<632x8xf32, #tpu.memory_space<hbm>>
      %dma_start3A_16 = arith.constant 0 : i32
      %dma_start3A_17 = tpu.memref_slice %arg6[%mul3A_11, %dma_start3A_16] : memref<10112x8xf32, #tpu.memory_space<vmem_shared>> -> memref<632x8xf32, #tpu.memory_space<vmem_shared>>
      tpu.enqueue_dma source(%dma_start3A_17 : memref<632x8xf32, #tpu.memory_space<vmem_shared>>) target(%dma_start3A_15 : memref<632x8xf32, #tpu.memory_space<hbm>>) target_semaphore(%run_scoped3A : memref<!tpu.dma_semaphore, #tpu.memory_space<semaphore_mem>>)
      %dma_wait3A = arith.constant 0 : i32
      %dma_wait3A_18 = tpu.memref_slice %arg5[%arg0, %mul3A_13, %dma_wait3A] : memref<2x10112x8xf32, #tpu.memory_space<hbm>> -> memref<1x632x8xf32, #tpu.memory_space<hbm>>
      %dma_wait3A_19 = tpu.memref_squeeze %dma_wait3A_18 : memref<1x632x8xf32, #tpu.memory_space<hbm>> -> memref<632x8xf32, #tpu.memory_space<hbm>>
      %dma_wait3A_20 = arith.constant 0 : i32
      %dma_wait3A_21 = tpu.memref_slice %arg6[%mul3A_11, %dma_wait3A_20] : memref<10112x8xf32, #tpu.memory_space<vmem_shared>> -> memref<632x8xf32, #tpu.memory_space<vmem_shared>>
      tpu.wait_dma2 semaphore(%run_scoped3A : memref<!tpu.dma_semaphore, #tpu.memory_space<semaphore_mem>>) src(%dma_wait3A_21 : memref<632x8xf32, #tpu.memory_space<vmem_shared>>) dst(%dma_wait3A_19 : memref<632x8xf32, #tpu.memory_space<hbm>>)
      tpu.yield
    }) : () -> ()
    return
  }
}

#map = affine_map<(d0, d1) -> (0, 0)>
#map1 = affine_map<(d0, d1) -> (0, 0, 0)>
module attributes {stable_mosaic.version = 14 : i64} {
  func.func @agg_kernel(%arg0: i32, %arg1: i32, %arg2: memref<10112x32xf32, #tpu.memory_space<hbm>>, %arg3: memref<32x80x250xi32, #tpu.memory_space<hbm>>, %arg4: memref<32x80x250xi32, #tpu.memory_space<hbm>>, %arg5: memref<2x10112x32xf32, #tpu.memory_space<hbm>>, %arg6: memref<10112x32xf32, #tpu.memory_space<vmem_shared>>, %arg7: memref<10112x32xf32, #tpu.memory_space<vmem_shared>>, %arg8: memref<80x250xi32, #tpu.memory_space<vmem>>, %arg9: memref<80x250xi32, #tpu.memory_space<vmem>>, %arg10: memref<250x32xf32, #tpu.memory_space<vmem>>, %arg11: memref<250x32xf32, #tpu.memory_space<vmem>>, %arg12: memref<632x32xf32, #tpu.memory_space<vmem>>, %arg13: memref<!tpu.dma_semaphore, #tpu.memory_space<semaphore_mem>>, %arg14: memref<!tpu.dma_semaphore, #tpu.memory_space<semaphore_mem>>, %arg15: memref<!tpu.dma_semaphore, #tpu.memory_space<semaphore_mem>>, %arg16: memref<!tpu.dma_semaphore, #tpu.memory_space<semaphore_mem>>) attributes {dimension_semantics = [#tpu.dimension_semantics<core_parallel>, #tpu.dimension_semantics<subcore_parallel>], iteration_bounds = array<i64: 2, 16>, scalar_prefetch = 0 : i64, scratch_operands = 11 : i64, tpu.core_type = #tpu.core_type<sc_vector_subcore>, window_params = [{transform_indices = #map}, {transform_indices = #map1}, {transform_indices = #map1}, {transform_indices = #map1}]} {
    %mul3A = arith.constant 16 : i32
    %mul3A_0 = arith.muli %arg0, %mul3A : i32
    %add3A = arith.addi %mul3A_0, %arg1 : i32
    %scan3A = arith.constant 0 : i32
    %scan3A_1 = arith.constant 0 : i32
    %scan3A_2 = arith.constant 632 : i32
    %scan3A_3 = arith.addi %scan3A_1, %scan3A_2 : i32
    %scan3A_4 = arith.constant 1 : i32
    %scan3A_5 = scf.for %scan3A_37 = %scan3A_1 to %scan3A_3 step %scan3A_4 iter_args(%scan3A_38 = %scan3A) -> (i32)  : i32 {
      %broadcast_in_dim3A = arith.constant 0.000000e+00 : f32
      %broadcast_in_dim3A_39 = vector.broadcast %broadcast_in_dim3A : f32 to vector<16xf32>
      %swap3A = arith.index_cast %scan3A_37 : i32 to index
      %swap3A_40 = arith.constant 0 : index
      %swap3A_41 = tpu.vector_load %arg12[%swap3A, %swap3A_40] {strides = array<i32>} : memref<632x32xf32, #tpu.memory_space<vmem>>, vector<1x16xf32>,
      %swap3A_42 = vector.shape_cast %swap3A_41 : vector<1x16xf32> to vector<16xf32>
      %swap3A_43 = vector.shape_cast %broadcast_in_dim3A_39 : vector<16xf32> to vector<1x16xf32>
      tpu.vector_store %arg12[%swap3A, %swap3A_40], %swap3A_43 {strides = array<i32>} : memref<632x32xf32, #tpu.memory_space<vmem>>, vector<1x16xf32>,
      %broadcast_in_dim3A_44 = arith.constant 0.000000e+00 : f32
      %broadcast_in_dim3A_45 = vector.broadcast %broadcast_in_dim3A_44 : f32 to vector<16xf32>
      %swap3A_46 = arith.index_cast %scan3A_37 : i32 to index
      %swap3A_47 = arith.constant 16 : index
      %swap3A_48 = tpu.vector_load %arg12[%swap3A_46, %swap3A_47] {strides = array<i32>} : memref<632x32xf32, #tpu.memory_space<vmem>>, vector<1x16xf32>,
      %swap3A_49 = vector.shape_cast %swap3A_48 : vector<1x16xf32> to vector<16xf32>
      %swap3A_50 = vector.shape_cast %broadcast_in_dim3A_45 : vector<16xf32> to vector<1x16xf32>
      tpu.vector_store %arg12[%swap3A_46, %swap3A_47], %swap3A_50 {strides = array<i32>} : memref<632x32xf32, #tpu.memory_space<vmem>>, vector<1x16xf32>,
      %scan3A_51 = arith.constant 0 : i32
      scf.yield %scan3A_51 : i32
    }
    %scan3A_6 = arith.constant 632 : i32
    %mul3A_7 = arith.constant 632 : i32
    %mul3A_8 = arith.muli %arg1, %mul3A_7 : i32
    "tpu.region"() ({
      %run_scoped3A = tpu.sem_alloc : memref<!tpu.dma_semaphore, #tpu.memory_space<semaphore_mem>>
      %dma_start3A_37 = arith.constant 0 : i32
      %dma_start3A_38 = tpu.memref_slice %arg7[%mul3A_8, %dma_start3A_37] : memref<10112x32xf32, #tpu.memory_space<vmem_shared>> -> memref<632x32xf32, #tpu.memory_space<vmem_shared>>
      %dma_start3A_39 = arith.constant 0 : i32
      %dma_start3A_40 = tpu.memref_slice %arg7[%mul3A_8, %dma_start3A_39] : memref<10112x32xf32, #tpu.memory_space<vmem_shared>> -> memref<632x32xf32, #tpu.memory_space<vmem_shared>>
      tpu.enqueue_dma source(%arg12 : memref<632x32xf32, #tpu.memory_space<vmem>>) target(%dma_start3A_40 : memref<632x32xf32, #tpu.memory_space<vmem_shared>>) target_semaphore(%run_scoped3A : memref<!tpu.dma_semaphore, #tpu.memory_space<semaphore_mem>>)
      %dma_wait3A_41 = arith.constant 0 : i32
      %dma_wait3A_42 = tpu.memref_slice %arg7[%mul3A_8, %dma_wait3A_41] : memref<10112x32xf32, #tpu.memory_space<vmem_shared>> -> memref<632x32xf32, #tpu.memory_space<vmem_shared>>
      %dma_wait3A_43 = arith.constant 0 : i32
      %dma_wait3A_44 = tpu.memref_slice %arg7[%mul3A_8, %dma_wait3A_43] : memref<10112x32xf32, #tpu.memory_space<vmem_shared>> -> memref<632x32xf32, #tpu.memory_space<vmem_shared>>
      tpu.wait_dma2 semaphore(%run_scoped3A : memref<!tpu.dma_semaphore, #tpu.memory_space<semaphore_mem>>) src(%arg12 : memref<632x32xf32, #tpu.memory_space<vmem>>) dst(%dma_wait3A_44 : memref<632x32xf32, #tpu.memory_space<vmem_shared>>)
      tpu.yield
    }) : () -> ()
    %mul3A_9 = arith.constant 632 : i32
    %mul3A_10 = arith.muli %arg1, %mul3A_9 : i32
    %mul3A_11 = arith.constant 632 : i32
    %mul3A_12 = arith.muli %arg1, %mul3A_11 : i32
    "tpu.region"() ({
      %run_scoped3A = tpu.sem_alloc : memref<!tpu.dma_semaphore, #tpu.memory_space<semaphore_mem>>
      %dma_start3A_37 = arith.constant 0 : i32
      %dma_start3A_38 = tpu.memref_slice %arg6[%mul3A_12, %dma_start3A_37] : memref<10112x32xf32, #tpu.memory_space<vmem_shared>> -> memref<632x32xf32, #tpu.memory_space<vmem_shared>>
      %dma_start3A_39 = arith.constant 0 : i32
      %dma_start3A_40 = tpu.memref_slice %arg2[%mul3A_10, %dma_start3A_39] : memref<10112x32xf32, #tpu.memory_space<hbm>> -> memref<632x32xf32, #tpu.memory_space<hbm>>
      tpu.enqueue_dma source(%dma_start3A_40 : memref<632x32xf32, #tpu.memory_space<hbm>>) target(%dma_start3A_38 : memref<632x32xf32, #tpu.memory_space<vmem_shared>>) target_semaphore(%run_scoped3A : memref<!tpu.dma_semaphore, #tpu.memory_space<semaphore_mem>>)
      %dma_wait3A_41 = arith.constant 0 : i32
      %dma_wait3A_42 = tpu.memref_slice %arg6[%mul3A_12, %dma_wait3A_41] : memref<10112x32xf32, #tpu.memory_space<vmem_shared>> -> memref<632x32xf32, #tpu.memory_space<vmem_shared>>
      %dma_wait3A_43 = arith.constant 0 : i32
      %dma_wait3A_44 = tpu.memref_slice %arg2[%mul3A_10, %dma_wait3A_43] : memref<10112x32xf32, #tpu.memory_space<hbm>> -> memref<632x32xf32, #tpu.memory_space<hbm>>
      tpu.wait_dma2 semaphore(%run_scoped3A : memref<!tpu.dma_semaphore, #tpu.memory_space<semaphore_mem>>) src(%dma_wait3A_44 : memref<632x32xf32, #tpu.memory_space<hbm>>) dst(%dma_wait3A_42 : memref<632x32xf32, #tpu.memory_space<vmem_shared>>)
      tpu.yield
    }) : () -> ()
    "tpu.region"() ({
      %run_scoped3A = tpu.sem_alloc : memref<!tpu.dma_semaphore, #tpu.memory_space<semaphore_mem>>
      %dma_start3A_37 = arith.constant 0 : i32
      %dma_start3A_38 = arith.constant 0 : i32
      %dma_start3A_39 = tpu.memref_slice %arg3[%add3A, %dma_start3A_37, %dma_start3A_38] : memref<32x80x250xi32, #tpu.memory_space<hbm>> -> memref<1x80x250xi32, #tpu.memory_space<hbm>>
      %dma_start3A_40 = tpu.memref_squeeze %dma_start3A_39 : memref<1x80x250xi32, #tpu.memory_space<hbm>> -> memref<80x250xi32, #tpu.memory_space<hbm>>
      %dma_start3A_41 = arith.constant 0 : i32
      %dma_start3A_42 = arith.constant 0 : i32
      %dma_start3A_43 = tpu.memref_slice %arg3[%add3A, %dma_start3A_41, %dma_start3A_42] : memref<32x80x250xi32, #tpu.memory_space<hbm>> -> memref<1x80x250xi32, #tpu.memory_space<hbm>>
      %dma_start3A_44 = tpu.memref_squeeze %dma_start3A_43 : memref<1x80x250xi32, #tpu.memory_space<hbm>> -> memref<80x250xi32, #tpu.memory_space<hbm>>
      tpu.enqueue_dma source(%dma_start3A_44 : memref<80x250xi32, #tpu.memory_space<hbm>>) target(%arg8 : memref<80x250xi32, #tpu.memory_space<vmem>>) target_semaphore(%run_scoped3A : memref<!tpu.dma_semaphore, #tpu.memory_space<semaphore_mem>>)
      %dma_wait3A_45 = arith.constant 0 : i32
      %dma_wait3A_46 = arith.constant 0 : i32
      %dma_wait3A_47 = tpu.memref_slice %arg3[%add3A, %dma_wait3A_45, %dma_wait3A_46] : memref<32x80x250xi32, #tpu.memory_space<hbm>> -> memref<1x80x250xi32, #tpu.memory_space<hbm>>
      %dma_wait3A_48 = tpu.memref_squeeze %dma_wait3A_47 : memref<1x80x250xi32, #tpu.memory_space<hbm>> -> memref<80x250xi32, #tpu.memory_space<hbm>>
      %dma_wait3A_49 = arith.constant 0 : i32
      %dma_wait3A_50 = arith.constant 0 : i32
      %dma_wait3A_51 = tpu.memref_slice %arg3[%add3A, %dma_wait3A_49, %dma_wait3A_50] : memref<32x80x250xi32, #tpu.memory_space<hbm>> -> memref<1x80x250xi32, #tpu.memory_space<hbm>>
      %dma_wait3A_52 = tpu.memref_squeeze %dma_wait3A_51 : memref<1x80x250xi32, #tpu.memory_space<hbm>> -> memref<80x250xi32, #tpu.memory_space<hbm>>
      tpu.wait_dma2 semaphore(%run_scoped3A : memref<!tpu.dma_semaphore, #tpu.memory_space<semaphore_mem>>) src(%dma_wait3A_52 : memref<80x250xi32, #tpu.memory_space<hbm>>) dst(%arg8 : memref<80x250xi32, #tpu.memory_space<vmem>>)
      tpu.yield
    }) : () -> ()
    "tpu.region"() ({
      %run_scoped3A = tpu.sem_alloc : memref<!tpu.dma_semaphore, #tpu.memory_space<semaphore_mem>>
      %dma_start3A_37 = arith.constant 0 : i32
      %dma_start3A_38 = arith.constant 0 : i32
      %dma_start3A_39 = tpu.memref_slice %arg4[%add3A, %dma_start3A_37, %dma_start3A_38] : memref<32x80x250xi32, #tpu.memory_space<hbm>> -> memref<1x80x250xi32, #tpu.memory_space<hbm>>
      %dma_start3A_40 = tpu.memref_squeeze %dma_start3A_39 : memref<1x80x250xi32, #tpu.memory_space<hbm>> -> memref<80x250xi32, #tpu.memory_space<hbm>>
      %dma_start3A_41 = arith.constant 0 : i32
      %dma_start3A_42 = arith.constant 0 : i32
      %dma_start3A_43 = tpu.memref_slice %arg4[%add3A, %dma_start3A_41, %dma_start3A_42] : memref<32x80x250xi32, #tpu.memory_space<hbm>> -> memref<1x80x250xi32, #tpu.memory_space<hbm>>
      %dma_start3A_44 = tpu.memref_squeeze %dma_start3A_43 : memref<1x80x250xi32, #tpu.memory_space<hbm>> -> memref<80x250xi32, #tpu.memory_space<hbm>>
      tpu.enqueue_dma source(%dma_start3A_44 : memref<80x250xi32, #tpu.memory_space<hbm>>) target(%arg9 : memref<80x250xi32, #tpu.memory_space<vmem>>) target_semaphore(%run_scoped3A : memref<!tpu.dma_semaphore, #tpu.memory_space<semaphore_mem>>)
      %dma_wait3A_45 = arith.constant 0 : i32
      %dma_wait3A_46 = arith.constant 0 : i32
      %dma_wait3A_47 = tpu.memref_slice %arg4[%add3A, %dma_wait3A_45, %dma_wait3A_46] : memref<32x80x250xi32, #tpu.memory_space<hbm>> -> memref<1x80x250xi32, #tpu.memory_space<hbm>>
      %dma_wait3A_48 = tpu.memref_squeeze %dma_wait3A_47 : memref<1x80x250xi32, #tpu.memory_space<hbm>> -> memref<80x250xi32, #tpu.memory_space<hbm>>
      %dma_wait3A_49 = arith.constant 0 : i32
      %dma_wait3A_50 = arith.constant 0 : i32
      %dma_wait3A_51 = tpu.memref_slice %arg4[%add3A, %dma_wait3A_49, %dma_wait3A_50] : memref<32x80x250xi32, #tpu.memory_space<hbm>> -> memref<1x80x250xi32, #tpu.memory_space<hbm>>
      %dma_wait3A_52 = tpu.memref_squeeze %dma_wait3A_51 : memref<1x80x250xi32, #tpu.memory_space<hbm>> -> memref<80x250xi32, #tpu.memory_space<hbm>>
      tpu.wait_dma2 semaphore(%run_scoped3A : memref<!tpu.dma_semaphore, #tpu.memory_space<semaphore_mem>>) src(%dma_wait3A_52 : memref<80x250xi32, #tpu.memory_space<hbm>>) dst(%arg9 : memref<80x250xi32, #tpu.memory_space<vmem>>)
      tpu.yield
    }) : () -> ()
    %barrier3A = arith.constant 0 : index
    tpu.barrier barrier_id(%barrier3A)
    %dma_start3A = arith.constant 0 : i32
    %dma_start3A_13 = arith.constant 0 : i32
    %dma_start3A_14 = tpu.memref_slice %arg8[%dma_start3A, %dma_start3A_13] : memref<80x250xi32, #tpu.memory_space<vmem>> -> memref<1x250xi32, #tpu.memory_space<vmem>>
    %dma_start3A_15 = tpu.memref_squeeze %dma_start3A_14 : memref<1x250xi32, #tpu.memory_space<vmem>> -> memref<250xi32, #tpu.memory_space<vmem>>
    %dma_start3A_16 = arith.constant 0 : i32
    %dma_start3A_17 = arith.constant 0 : i32
    %dma_start3A_18 = tpu.memref_slice %arg6[%dma_start3A_16, %dma_start3A_17] : memref<10112x32xf32, #tpu.memory_space<vmem_shared>> -> memref<10112x32xf32, #tpu.memory_space<vmem_shared>>
    tpu.enqueue_indirect_dma source(%dma_start3A_18 : memref<10112x32xf32, #tpu.memory_space<vmem_shared>>) target(%arg10 : memref<250x32xf32, #tpu.memory_space<vmem>>) offsets(%dma_start3A_15 : memref<250xi32, #tpu.memory_space<vmem>>) semaphore(%arg13 : memref<!tpu.dma_semaphore, #tpu.memory_space<semaphore_mem>>)
    %scan3A_19 = arith.constant 0 : i32
    %scan3A_20 = arith.constant 0 : i32
    %scan3A_21 = arith.constant 40 : i32
    %scan3A_22 = arith.addi %scan3A_20, %scan3A_21 : i32
    %scan3A_23 = arith.constant 1 : i32
    %scan3A_24 = scf.for %scan3A_37 = %scan3A_20 to %scan3A_22 step %scan3A_23 iter_args(%scan3A_38 = %scan3A_19) -> (i32)  : i32 {
      %mul3A_39 = arith.constant 2 : i32
      %mul3A_40 = arith.muli %mul3A_39, %scan3A_37 : i32
      %dma_wait3A_41 = arith.constant 0 : i32
      %dma_wait3A_42 = tpu.memref_slice %arg8[%mul3A_40, %dma_wait3A_41] : memref<80x250xi32, #tpu.memory_space<vmem>> -> memref<1x250xi32, #tpu.memory_space<vmem>>
      %dma_wait3A_43 = tpu.memref_squeeze %dma_wait3A_42 : memref<1x250xi32, #tpu.memory_space<vmem>> -> memref<250xi32, #tpu.memory_space<vmem>>
      %dma_wait3A_44 = arith.constant 0 : i32
      %dma_wait3A_45 = arith.constant 0 : i32
      %dma_wait3A_46 = tpu.memref_slice %arg6[%dma_wait3A_44, %dma_wait3A_45] : memref<10112x32xf32, #tpu.memory_space<vmem_shared>> -> memref<10112x32xf32, #tpu.memory_space<vmem_shared>>
      tpu.wait_indirect_dma semaphore(%arg13 : memref<!tpu.dma_semaphore, #tpu.memory_space<semaphore_mem>>) src(%dma_wait3A_46 : memref<10112x32xf32, #tpu.memory_space<vmem_shared>>) dst(%arg10 : memref<250x32xf32, #tpu.memory_space<vmem>>)
      %gt3A = arith.constant 0 : i32
      %gt3A_47 = arith.cmpi sgt, %scan3A_37, %gt3A : i32
      %convert_element_type3A = arith.extui %gt3A_47 : i1 to i32
      %cond3A = arith.constant 0 : i32
      %cond3A_48 = arith.cmpi ne, %convert_element_type3A, %cond3A : i32
      scf.if %cond3A_48 {
        %dma_wait3A_90 = arith.constant 0 : i32
        %dma_wait3A_91 = tpu.memref_slice %arg9[%mul3A_40, %dma_wait3A_90] : memref<80x250xi32, #tpu.memory_space<vmem>> -> memref<1x250xi32, #tpu.memory_space<vmem>>
        %dma_wait3A_92 = tpu.memref_squeeze %dma_wait3A_91 : memref<1x250xi32, #tpu.memory_space<vmem>> -> memref<250xi32, #tpu.memory_space<vmem>>
        %dma_wait3A_93 = arith.constant 0 : i32
        %dma_wait3A_94 = arith.constant 0 : i32
        %dma_wait3A_95 = tpu.memref_slice %arg7[%dma_wait3A_93, %dma_wait3A_94] : memref<10112x32xf32, #tpu.memory_space<vmem_shared>> -> memref<10112x32xf32, #tpu.memory_space<vmem_shared>>
        tpu.wait_indirect_dma semaphore(%arg16 : memref<!tpu.dma_semaphore, #tpu.memory_space<semaphore_mem>>) src(%arg11 : memref<250x32xf32, #tpu.memory_space<vmem>>) dst(%dma_wait3A_95 : memref<10112x32xf32, #tpu.memory_space<vmem_shared>>)
      } else {
      }
      %add3A_49 = arith.constant 1 : i32
      %add3A_50 = arith.addi %mul3A_40, %add3A_49 : i32
      %dma_start3A_51 = arith.constant 0 : i32
      %dma_start3A_52 = tpu.memref_slice %arg8[%add3A_50, %dma_start3A_51] : memref<80x250xi32, #tpu.memory_space<vmem>> -> memref<1x250xi32, #tpu.memory_space<vmem>>
      %dma_start3A_53 = tpu.memref_squeeze %dma_start3A_52 : memref<1x250xi32, #tpu.memory_space<vmem>> -> memref<250xi32, #tpu.memory_space<vmem>>
      %dma_start3A_54 = arith.constant 0 : i32
      %dma_start3A_55 = arith.constant 0 : i32
      %dma_start3A_56 = tpu.memref_slice %arg6[%dma_start3A_54, %dma_start3A_55] : memref<10112x32xf32, #tpu.memory_space<vmem_shared>> -> memref<10112x32xf32, #tpu.memory_space<vmem_shared>>
      tpu.enqueue_indirect_dma source(%dma_start3A_56 : memref<10112x32xf32, #tpu.memory_space<vmem_shared>>) target(%arg11 : memref<250x32xf32, #tpu.memory_space<vmem>>) offsets(%dma_start3A_53 : memref<250xi32, #tpu.memory_space<vmem>>) semaphore(%arg14 : memref<!tpu.dma_semaphore, #tpu.memory_space<semaphore_mem>>)
      %dma_start3A_57 = arith.constant 0 : i32
      %dma_start3A_58 = tpu.memref_slice %arg9[%mul3A_40, %dma_start3A_57] : memref<80x250xi32, #tpu.memory_space<vmem>> -> memref<1x250xi32, #tpu.memory_space<vmem>>
      %dma_start3A_59 = tpu.memref_squeeze %dma_start3A_58 : memref<1x250xi32, #tpu.memory_space<vmem>> -> memref<250xi32, #tpu.memory_space<vmem>>
      %dma_start3A_60 = arith.constant 0 : i32
      %dma_start3A_61 = arith.constant 0 : i32
      %dma_start3A_62 = tpu.memref_slice %arg7[%dma_start3A_60, %dma_start3A_61] : memref<10112x32xf32, #tpu.memory_space<vmem_shared>> -> memref<10112x32xf32, #tpu.memory_space<vmem_shared>>
      tpu.enqueue_indirect_dma source(%arg10 : memref<250x32xf32, #tpu.memory_space<vmem>>) target(%dma_start3A_62 : memref<10112x32xf32, #tpu.memory_space<vmem_shared>>) offsets(%dma_start3A_59 : memref<250xi32, #tpu.memory_space<vmem>>) semaphore(%arg15 : memref<!tpu.dma_semaphore, #tpu.memory_space<semaphore_mem>>) {add = true}
      %dma_wait3A_63 = arith.constant 0 : i32
      %dma_wait3A_64 = tpu.memref_slice %arg8[%mul3A_40, %dma_wait3A_63] : memref<80x250xi32, #tpu.memory_space<vmem>> -> memref<1x250xi32, #tpu.memory_space<vmem>>
      %dma_wait3A_65 = tpu.memref_squeeze %dma_wait3A_64 : memref<1x250xi32, #tpu.memory_space<vmem>> -> memref<250xi32, #tpu.memory_space<vmem>>
      %dma_wait3A_66 = arith.constant 0 : i32
      %dma_wait3A_67 = arith.constant 0 : i32
      %dma_wait3A_68 = tpu.memref_slice %arg6[%dma_wait3A_66, %dma_wait3A_67] : memref<10112x32xf32, #tpu.memory_space<vmem_shared>> -> memref<10112x32xf32, #tpu.memory_space<vmem_shared>>
      tpu.wait_indirect_dma semaphore(%arg14 : memref<!tpu.dma_semaphore, #tpu.memory_space<semaphore_mem>>) src(%dma_wait3A_68 : memref<10112x32xf32, #tpu.memory_space<vmem_shared>>) dst(%arg11 : memref<250x32xf32, #tpu.memory_space<vmem>>)
      %dma_wait3A_69 = arith.constant 0 : i32
      %dma_wait3A_70 = tpu.memref_slice %arg9[%mul3A_40, %dma_wait3A_69] : memref<80x250xi32, #tpu.memory_space<vmem>> -> memref<1x250xi32, #tpu.memory_space<vmem>>
      %dma_wait3A_71 = tpu.memref_squeeze %dma_wait3A_70 : memref<1x250xi32, #tpu.memory_space<vmem>> -> memref<250xi32, #tpu.memory_space<vmem>>
      %dma_wait3A_72 = arith.constant 0 : i32
      %dma_wait3A_73 = arith.constant 0 : i32
      %dma_wait3A_74 = tpu.memref_slice %arg7[%dma_wait3A_72, %dma_wait3A_73] : memref<10112x32xf32, #tpu.memory_space<vmem_shared>> -> memref<10112x32xf32, #tpu.memory_space<vmem_shared>>
      tpu.wait_indirect_dma semaphore(%arg15 : memref<!tpu.dma_semaphore, #tpu.memory_space<semaphore_mem>>) src(%arg10 : memref<250x32xf32, #tpu.memory_space<vmem>>) dst(%dma_wait3A_74 : memref<10112x32xf32, #tpu.memory_space<vmem_shared>>)
      %add3A_75 = arith.constant 1 : i32
      %add3A_76 = arith.addi %scan3A_37, %add3A_75 : i32
      %lt3A = arith.constant 40 : i32
      %lt3A_77 = arith.cmpi slt, %add3A_76, %lt3A : i32
      %convert_element_type3A_78 = arith.extui %lt3A_77 : i1 to i32
      %cond3A_79 = arith.constant 0 : i32
      %cond3A_80 = arith.cmpi ne, %convert_element_type3A_78, %cond3A_79 : i32
      scf.if %cond3A_80 {
        %add3A_90 = arith.constant 2 : i32
        %add3A_91 = arith.addi %mul3A_40, %add3A_90 : i32
        %dma_start3A_92 = arith.constant 0 : i32
        %dma_start3A_93 = tpu.memref_slice %arg8[%add3A_91, %dma_start3A_92] : memref<80x250xi32, #tpu.memory_space<vmem>> -> memref<1x250xi32, #tpu.memory_space<vmem>>
        %dma_start3A_94 = tpu.memref_squeeze %dma_start3A_93 : memref<1x250xi32, #tpu.memory_space<vmem>> -> memref<250xi32, #tpu.memory_space<vmem>>
        %dma_start3A_95 = arith.constant 0 : i32
        %dma_start3A_96 = arith.constant 0 : i32
        %dma_start3A_97 = tpu.memref_slice %arg6[%dma_start3A_95, %dma_start3A_96] : memref<10112x32xf32, #tpu.memory_space<vmem_shared>> -> memref<10112x32xf32, #tpu.memory_space<vmem_shared>>
        tpu.enqueue_indirect_dma source(%dma_start3A_97 : memref<10112x32xf32, #tpu.memory_space<vmem_shared>>) target(%arg10 : memref<250x32xf32, #tpu.memory_space<vmem>>) offsets(%dma_start3A_94 : memref<250xi32, #tpu.memory_space<vmem>>) semaphore(%arg13 : memref<!tpu.dma_semaphore, #tpu.memory_space<semaphore_mem>>)
      } else {
      }
      %add3A_81 = arith.constant 1 : i32
      %add3A_82 = arith.addi %mul3A_40, %add3A_81 : i32
      %dma_start3A_83 = arith.constant 0 : i32
      %dma_start3A_84 = tpu.memref_slice %arg9[%add3A_82, %dma_start3A_83] : memref<80x250xi32, #tpu.memory_space<vmem>> -> memref<1x250xi32, #tpu.memory_space<vmem>>
      %dma_start3A_85 = tpu.memref_squeeze %dma_start3A_84 : memref<1x250xi32, #tpu.memory_space<vmem>> -> memref<250xi32, #tpu.memory_space<vmem>>
      %dma_start3A_86 = arith.constant 0 : i32
      %dma_start3A_87 = arith.constant 0 : i32
      %dma_start3A_88 = tpu.memref_slice %arg7[%dma_start3A_86, %dma_start3A_87] : memref<10112x32xf32, #tpu.memory_space<vmem_shared>> -> memref<10112x32xf32, #tpu.memory_space<vmem_shared>>
      tpu.enqueue_indirect_dma source(%arg11 : memref<250x32xf32, #tpu.memory_space<vmem>>) target(%dma_start3A_88 : memref<10112x32xf32, #tpu.memory_space<vmem_shared>>) offsets(%dma_start3A_85 : memref<250xi32, #tpu.memory_space<vmem>>) semaphore(%arg16 : memref<!tpu.dma_semaphore, #tpu.memory_space<semaphore_mem>>) {add = true}
      %scan3A_89 = arith.constant 0 : i32
      scf.yield %scan3A_89 : i32
    }
    %scan3A_25 = arith.constant 40 : i32
    %dma_wait3A = arith.constant 0 : i32
    %dma_wait3A_26 = arith.constant 0 : i32
    %dma_wait3A_27 = tpu.memref_slice %arg9[%dma_wait3A, %dma_wait3A_26] : memref<80x250xi32, #tpu.memory_space<vmem>> -> memref<1x250xi32, #tpu.memory_space<vmem>>
    %dma_wait3A_28 = tpu.memref_squeeze %dma_wait3A_27 : memref<1x250xi32, #tpu.memory_space<vmem>> -> memref<250xi32, #tpu.memory_space<vmem>>
    %dma_wait3A_29 = arith.constant 0 : i32
    %dma_wait3A_30 = arith.constant 0 : i32
    %dma_wait3A_31 = tpu.memref_slice %arg7[%dma_wait3A_29, %dma_wait3A_30] : memref<10112x32xf32, #tpu.memory_space<vmem_shared>> -> memref<10112x32xf32, #tpu.memory_space<vmem_shared>>
    tpu.wait_indirect_dma semaphore(%arg16 : memref<!tpu.dma_semaphore, #tpu.memory_space<semaphore_mem>>) src(%arg11 : memref<250x32xf32, #tpu.memory_space<vmem>>) dst(%dma_wait3A_31 : memref<10112x32xf32, #tpu.memory_space<vmem_shared>>)
    %barrier3A_32 = arith.constant 0 : index
    tpu.barrier barrier_id(%barrier3A_32)
    %mul3A_33 = arith.constant 632 : i32
    %mul3A_34 = arith.muli %arg1, %mul3A_33 : i32
    %mul3A_35 = arith.constant 632 : i32
    %mul3A_36 = arith.muli %arg1, %mul3A_35 : i32
    "tpu.region"() ({
      %run_scoped3A = tpu.sem_alloc : memref<!tpu.dma_semaphore, #tpu.memory_space<semaphore_mem>>
      %dma_start3A_37 = arith.constant 0 : i32
      %dma_start3A_38 = tpu.memref_slice %arg5[%arg0, %mul3A_36, %dma_start3A_37] : memref<2x10112x32xf32, #tpu.memory_space<hbm>> -> memref<1x632x32xf32, #tpu.memory_space<hbm>>
      %dma_start3A_39 = tpu.memref_squeeze %dma_start3A_38 : memref<1x632x32xf32, #tpu.memory_space<hbm>> -> memref<632x32xf32, #tpu.memory_space<hbm>>
      %dma_start3A_40 = arith.constant 0 : i32
      %dma_start3A_41 = tpu.memref_slice %arg7[%mul3A_34, %dma_start3A_40] : memref<10112x32xf32, #tpu.memory_space<vmem_shared>> -> memref<632x32xf32, #tpu.memory_space<vmem_shared>>
      tpu.enqueue_dma source(%dma_start3A_41 : memref<632x32xf32, #tpu.memory_space<vmem_shared>>) target(%dma_start3A_39 : memref<632x32xf32, #tpu.memory_space<hbm>>) target_semaphore(%run_scoped3A : memref<!tpu.dma_semaphore, #tpu.memory_space<semaphore_mem>>)
      %dma_wait3A_42 = arith.constant 0 : i32
      %dma_wait3A_43 = tpu.memref_slice %arg5[%arg0, %mul3A_36, %dma_wait3A_42] : memref<2x10112x32xf32, #tpu.memory_space<hbm>> -> memref<1x632x32xf32, #tpu.memory_space<hbm>>
      %dma_wait3A_44 = tpu.memref_squeeze %dma_wait3A_43 : memref<1x632x32xf32, #tpu.memory_space<hbm>> -> memref<632x32xf32, #tpu.memory_space<hbm>>
      %dma_wait3A_45 = arith.constant 0 : i32
      %dma_wait3A_46 = tpu.memref_slice %arg7[%mul3A_34, %dma_wait3A_45] : memref<10112x32xf32, #tpu.memory_space<vmem_shared>> -> memref<632x32xf32, #tpu.memory_space<vmem_shared>>
      tpu.wait_dma2 semaphore(%run_scoped3A : memref<!tpu.dma_semaphore, #tpu.memory_space<semaphore_mem>>) src(%dma_wait3A_46 : memref<632x32xf32, #tpu.memory_space<vmem_shared>>) dst(%dma_wait3A_44 : memref<632x32xf32, #tpu.memory_space<hbm>>)
      tpu.yield
    }) : () -> ()
    return
  }
}

#map = affine_map<(d0, d1) -> (0, 0)>
#map1 = affine_map<(d0, d1) -> (0, 0, 0)>
module attributes {stable_mosaic.version = 14 : i64} {
  func.func @agg_kernel(%arg0: i32, %arg1: i32, %arg2: memref<10112x16xf32, #tpu.memory_space<hbm>>, %arg3: memref<32x80x250xi32, #tpu.memory_space<hbm>>, %arg4: memref<32x80x250xi32, #tpu.memory_space<hbm>>, %arg5: memref<2x10112x16xf32, #tpu.memory_space<hbm>>, %arg6: memref<10112x16xf32, #tpu.memory_space<vmem_shared>>, %arg7: memref<10112x16xf32, #tpu.memory_space<vmem_shared>>, %arg8: memref<80x250xi32, #tpu.memory_space<vmem>>, %arg9: memref<80x250xi32, #tpu.memory_space<vmem>>, %arg10: memref<250x16xf32, #tpu.memory_space<vmem>>, %arg11: memref<250x16xf32, #tpu.memory_space<vmem>>, %arg12: memref<632x16xf32, #tpu.memory_space<vmem>>, %arg13: memref<!tpu.dma_semaphore, #tpu.memory_space<semaphore_mem>>, %arg14: memref<!tpu.dma_semaphore, #tpu.memory_space<semaphore_mem>>, %arg15: memref<!tpu.dma_semaphore, #tpu.memory_space<semaphore_mem>>, %arg16: memref<!tpu.dma_semaphore, #tpu.memory_space<semaphore_mem>>) attributes {dimension_semantics = [#tpu.dimension_semantics<core_parallel>, #tpu.dimension_semantics<subcore_parallel>], iteration_bounds = array<i64: 2, 16>, scalar_prefetch = 0 : i64, scratch_operands = 11 : i64, tpu.core_type = #tpu.core_type<sc_vector_subcore>, window_params = [{transform_indices = #map}, {transform_indices = #map1}, {transform_indices = #map1}, {transform_indices = #map1}]} {
    %mul3A = arith.constant 16 : i32
    %mul3A_0 = arith.muli %arg0, %mul3A : i32
    %add3A = arith.addi %mul3A_0, %arg1 : i32
    %scan3A = arith.constant 0 : i32
    %scan3A_1 = arith.constant 0 : i32
    %scan3A_2 = arith.constant 632 : i32
    %scan3A_3 = arith.addi %scan3A_1, %scan3A_2 : i32
    %scan3A_4 = arith.constant 1 : i32
    %scan3A_5 = scf.for %scan3A_37 = %scan3A_1 to %scan3A_3 step %scan3A_4 iter_args(%scan3A_38 = %scan3A) -> (i32)  : i32 {
      %broadcast_in_dim3A = arith.constant 0.000000e+00 : f32
      %broadcast_in_dim3A_39 = vector.broadcast %broadcast_in_dim3A : f32 to vector<16xf32>
      %swap3A = arith.index_cast %scan3A_37 : i32 to index
      %swap3A_40 = arith.constant 0 : index
      %swap3A_41 = tpu.vector_load %arg12[%swap3A, %swap3A_40] {strides = array<i32>} : memref<632x16xf32, #tpu.memory_space<vmem>>, vector<1x16xf32>,
      %swap3A_42 = vector.shape_cast %swap3A_41 : vector<1x16xf32> to vector<16xf32>
      %swap3A_43 = vector.shape_cast %broadcast_in_dim3A_39 : vector<16xf32> to vector<1x16xf32>
      tpu.vector_store %arg12[%swap3A, %swap3A_40], %swap3A_43 {strides = array<i32>} : memref<632x16xf32, #tpu.memory_space<vmem>>, vector<1x16xf32>,
      %scan3A_44 = arith.constant 0 : i32
      scf.yield %scan3A_44 : i32
    }
    %scan3A_6 = arith.constant 632 : i32
    %mul3A_7 = arith.constant 632 : i32
    %mul3A_8 = arith.muli %arg1, %mul3A_7 : i32
    "tpu.region"() ({
      %run_scoped3A = tpu.sem_alloc : memref<!tpu.dma_semaphore, #tpu.memory_space<semaphore_mem>>
      %dma_start3A_37 = arith.constant 0 : i32
      %dma_start3A_38 = tpu.memref_slice %arg7[%mul3A_8, %dma_start3A_37] : memref<10112x16xf32, #tpu.memory_space<vmem_shared>> -> memref<632x16xf32, #tpu.memory_space<vmem_shared>>
      %dma_start3A_39 = arith.constant 0 : i32
      %dma_start3A_40 = tpu.memref_slice %arg7[%mul3A_8, %dma_start3A_39] : memref<10112x16xf32, #tpu.memory_space<vmem_shared>> -> memref<632x16xf32, #tpu.memory_space<vmem_shared>>
      tpu.enqueue_dma source(%arg12 : memref<632x16xf32, #tpu.memory_space<vmem>>) target(%dma_start3A_40 : memref<632x16xf32, #tpu.memory_space<vmem_shared>>) target_semaphore(%run_scoped3A : memref<!tpu.dma_semaphore, #tpu.memory_space<semaphore_mem>>)
      %dma_wait3A_41 = arith.constant 0 : i32
      %dma_wait3A_42 = tpu.memref_slice %arg7[%mul3A_8, %dma_wait3A_41] : memref<10112x16xf32, #tpu.memory_space<vmem_shared>> -> memref<632x16xf32, #tpu.memory_space<vmem_shared>>
      %dma_wait3A_43 = arith.constant 0 : i32
      %dma_wait3A_44 = tpu.memref_slice %arg7[%mul3A_8, %dma_wait3A_43] : memref<10112x16xf32, #tpu.memory_space<vmem_shared>> -> memref<632x16xf32, #tpu.memory_space<vmem_shared>>
      tpu.wait_dma2 semaphore(%run_scoped3A : memref<!tpu.dma_semaphore, #tpu.memory_space<semaphore_mem>>) src(%arg12 : memref<632x16xf32, #tpu.memory_space<vmem>>) dst(%dma_wait3A_44 : memref<632x16xf32, #tpu.memory_space<vmem_shared>>)
      tpu.yield
    }) : () -> ()
    %mul3A_9 = arith.constant 632 : i32
    %mul3A_10 = arith.muli %arg1, %mul3A_9 : i32
    %mul3A_11 = arith.constant 632 : i32
    %mul3A_12 = arith.muli %arg1, %mul3A_11 : i32
    "tpu.region"() ({
      %run_scoped3A = tpu.sem_alloc : memref<!tpu.dma_semaphore, #tpu.memory_space<semaphore_mem>>
      %dma_start3A_37 = arith.constant 0 : i32
      %dma_start3A_38 = tpu.memref_slice %arg6[%mul3A_12, %dma_start3A_37] : memref<10112x16xf32, #tpu.memory_space<vmem_shared>> -> memref<632x16xf32, #tpu.memory_space<vmem_shared>>
      %dma_start3A_39 = arith.constant 0 : i32
      %dma_start3A_40 = tpu.memref_slice %arg2[%mul3A_10, %dma_start3A_39] : memref<10112x16xf32, #tpu.memory_space<hbm>> -> memref<632x16xf32, #tpu.memory_space<hbm>>
      tpu.enqueue_dma source(%dma_start3A_40 : memref<632x16xf32, #tpu.memory_space<hbm>>) target(%dma_start3A_38 : memref<632x16xf32, #tpu.memory_space<vmem_shared>>) target_semaphore(%run_scoped3A : memref<!tpu.dma_semaphore, #tpu.memory_space<semaphore_mem>>)
      %dma_wait3A_41 = arith.constant 0 : i32
      %dma_wait3A_42 = tpu.memref_slice %arg6[%mul3A_12, %dma_wait3A_41] : memref<10112x16xf32, #tpu.memory_space<vmem_shared>> -> memref<632x16xf32, #tpu.memory_space<vmem_shared>>
      %dma_wait3A_43 = arith.constant 0 : i32
      %dma_wait3A_44 = tpu.memref_slice %arg2[%mul3A_10, %dma_wait3A_43] : memref<10112x16xf32, #tpu.memory_space<hbm>> -> memref<632x16xf32, #tpu.memory_space<hbm>>
      tpu.wait_dma2 semaphore(%run_scoped3A : memref<!tpu.dma_semaphore, #tpu.memory_space<semaphore_mem>>) src(%dma_wait3A_44 : memref<632x16xf32, #tpu.memory_space<hbm>>) dst(%dma_wait3A_42 : memref<632x16xf32, #tpu.memory_space<vmem_shared>>)
      tpu.yield
    }) : () -> ()
    "tpu.region"() ({
      %run_scoped3A = tpu.sem_alloc : memref<!tpu.dma_semaphore, #tpu.memory_space<semaphore_mem>>
      %dma_start3A_37 = arith.constant 0 : i32
      %dma_start3A_38 = arith.constant 0 : i32
      %dma_start3A_39 = tpu.memref_slice %arg3[%add3A, %dma_start3A_37, %dma_start3A_38] : memref<32x80x250xi32, #tpu.memory_space<hbm>> -> memref<1x80x250xi32, #tpu.memory_space<hbm>>
      %dma_start3A_40 = tpu.memref_squeeze %dma_start3A_39 : memref<1x80x250xi32, #tpu.memory_space<hbm>> -> memref<80x250xi32, #tpu.memory_space<hbm>>
      %dma_start3A_41 = arith.constant 0 : i32
      %dma_start3A_42 = arith.constant 0 : i32
      %dma_start3A_43 = tpu.memref_slice %arg3[%add3A, %dma_start3A_41, %dma_start3A_42] : memref<32x80x250xi32, #tpu.memory_space<hbm>> -> memref<1x80x250xi32, #tpu.memory_space<hbm>>
      %dma_start3A_44 = tpu.memref_squeeze %dma_start3A_43 : memref<1x80x250xi32, #tpu.memory_space<hbm>> -> memref<80x250xi32, #tpu.memory_space<hbm>>
      tpu.enqueue_dma source(%dma_start3A_44 : memref<80x250xi32, #tpu.memory_space<hbm>>) target(%arg8 : memref<80x250xi32, #tpu.memory_space<vmem>>) target_semaphore(%run_scoped3A : memref<!tpu.dma_semaphore, #tpu.memory_space<semaphore_mem>>)
      %dma_wait3A_45 = arith.constant 0 : i32
      %dma_wait3A_46 = arith.constant 0 : i32
      %dma_wait3A_47 = tpu.memref_slice %arg3[%add3A, %dma_wait3A_45, %dma_wait3A_46] : memref<32x80x250xi32, #tpu.memory_space<hbm>> -> memref<1x80x250xi32, #tpu.memory_space<hbm>>
      %dma_wait3A_48 = tpu.memref_squeeze %dma_wait3A_47 : memref<1x80x250xi32, #tpu.memory_space<hbm>> -> memref<80x250xi32, #tpu.memory_space<hbm>>
      %dma_wait3A_49 = arith.constant 0 : i32
      %dma_wait3A_50 = arith.constant 0 : i32
      %dma_wait3A_51 = tpu.memref_slice %arg3[%add3A, %dma_wait3A_49, %dma_wait3A_50] : memref<32x80x250xi32, #tpu.memory_space<hbm>> -> memref<1x80x250xi32, #tpu.memory_space<hbm>>
      %dma_wait3A_52 = tpu.memref_squeeze %dma_wait3A_51 : memref<1x80x250xi32, #tpu.memory_space<hbm>> -> memref<80x250xi32, #tpu.memory_space<hbm>>
      tpu.wait_dma2 semaphore(%run_scoped3A : memref<!tpu.dma_semaphore, #tpu.memory_space<semaphore_mem>>) src(%dma_wait3A_52 : memref<80x250xi32, #tpu.memory_space<hbm>>) dst(%arg8 : memref<80x250xi32, #tpu.memory_space<vmem>>)
      tpu.yield
    }) : () -> ()
    "tpu.region"() ({
      %run_scoped3A = tpu.sem_alloc : memref<!tpu.dma_semaphore, #tpu.memory_space<semaphore_mem>>
      %dma_start3A_37 = arith.constant 0 : i32
      %dma_start3A_38 = arith.constant 0 : i32
      %dma_start3A_39 = tpu.memref_slice %arg4[%add3A, %dma_start3A_37, %dma_start3A_38] : memref<32x80x250xi32, #tpu.memory_space<hbm>> -> memref<1x80x250xi32, #tpu.memory_space<hbm>>
      %dma_start3A_40 = tpu.memref_squeeze %dma_start3A_39 : memref<1x80x250xi32, #tpu.memory_space<hbm>> -> memref<80x250xi32, #tpu.memory_space<hbm>>
      %dma_start3A_41 = arith.constant 0 : i32
      %dma_start3A_42 = arith.constant 0 : i32
      %dma_start3A_43 = tpu.memref_slice %arg4[%add3A, %dma_start3A_41, %dma_start3A_42] : memref<32x80x250xi32, #tpu.memory_space<hbm>> -> memref<1x80x250xi32, #tpu.memory_space<hbm>>
      %dma_start3A_44 = tpu.memref_squeeze %dma_start3A_43 : memref<1x80x250xi32, #tpu.memory_space<hbm>> -> memref<80x250xi32, #tpu.memory_space<hbm>>
      tpu.enqueue_dma source(%dma_start3A_44 : memref<80x250xi32, #tpu.memory_space<hbm>>) target(%arg9 : memref<80x250xi32, #tpu.memory_space<vmem>>) target_semaphore(%run_scoped3A : memref<!tpu.dma_semaphore, #tpu.memory_space<semaphore_mem>>)
      %dma_wait3A_45 = arith.constant 0 : i32
      %dma_wait3A_46 = arith.constant 0 : i32
      %dma_wait3A_47 = tpu.memref_slice %arg4[%add3A, %dma_wait3A_45, %dma_wait3A_46] : memref<32x80x250xi32, #tpu.memory_space<hbm>> -> memref<1x80x250xi32, #tpu.memory_space<hbm>>
      %dma_wait3A_48 = tpu.memref_squeeze %dma_wait3A_47 : memref<1x80x250xi32, #tpu.memory_space<hbm>> -> memref<80x250xi32, #tpu.memory_space<hbm>>
      %dma_wait3A_49 = arith.constant 0 : i32
      %dma_wait3A_50 = arith.constant 0 : i32
      %dma_wait3A_51 = tpu.memref_slice %arg4[%add3A, %dma_wait3A_49, %dma_wait3A_50] : memref<32x80x250xi32, #tpu.memory_space<hbm>> -> memref<1x80x250xi32, #tpu.memory_space<hbm>>
      %dma_wait3A_52 = tpu.memref_squeeze %dma_wait3A_51 : memref<1x80x250xi32, #tpu.memory_space<hbm>> -> memref<80x250xi32, #tpu.memory_space<hbm>>
      tpu.wait_dma2 semaphore(%run_scoped3A : memref<!tpu.dma_semaphore, #tpu.memory_space<semaphore_mem>>) src(%dma_wait3A_52 : memref<80x250xi32, #tpu.memory_space<hbm>>) dst(%arg9 : memref<80x250xi32, #tpu.memory_space<vmem>>)
      tpu.yield
    }) : () -> ()
    %barrier3A = arith.constant 0 : index
    tpu.barrier barrier_id(%barrier3A)
    %dma_start3A = arith.constant 0 : i32
    %dma_start3A_13 = arith.constant 0 : i32
    %dma_start3A_14 = tpu.memref_slice %arg8[%dma_start3A, %dma_start3A_13] : memref<80x250xi32, #tpu.memory_space<vmem>> -> memref<1x250xi32, #tpu.memory_space<vmem>>
    %dma_start3A_15 = tpu.memref_squeeze %dma_start3A_14 : memref<1x250xi32, #tpu.memory_space<vmem>> -> memref<250xi32, #tpu.memory_space<vmem>>
    %dma_start3A_16 = arith.constant 0 : i32
    %dma_start3A_17 = arith.constant 0 : i32
    %dma_start3A_18 = tpu.memref_slice %arg6[%dma_start3A_16, %dma_start3A_17] : memref<10112x16xf32, #tpu.memory_space<vmem_shared>> -> memref<10112x16xf32, #tpu.memory_space<vmem_shared>>
    tpu.enqueue_indirect_dma source(%dma_start3A_18 : memref<10112x16xf32, #tpu.memory_space<vmem_shared>>) target(%arg10 : memref<250x16xf32, #tpu.memory_space<vmem>>) offsets(%dma_start3A_15 : memref<250xi32, #tpu.memory_space<vmem>>) semaphore(%arg13 : memref<!tpu.dma_semaphore, #tpu.memory_space<semaphore_mem>>)
    %scan3A_19 = arith.constant 0 : i32
    %scan3A_20 = arith.constant 0 : i32
    %scan3A_21 = arith.constant 40 : i32
    %scan3A_22 = arith.addi %scan3A_20, %scan3A_21 : i32
    %scan3A_23 = arith.constant 1 : i32
    %scan3A_24 = scf.for %scan3A_37 = %scan3A_20 to %scan3A_22 step %scan3A_23 iter_args(%scan3A_38 = %scan3A_19) -> (i32)  : i32 {
      %mul3A_39 = arith.constant 2 : i32
      %mul3A_40 = arith.muli %mul3A_39, %scan3A_37 : i32
      %dma_wait3A_41 = arith.constant 0 : i32
      %dma_wait3A_42 = tpu.memref_slice %arg8[%mul3A_40, %dma_wait3A_41] : memref<80x250xi32, #tpu.memory_space<vmem>> -> memref<1x250xi32, #tpu.memory_space<vmem>>
      %dma_wait3A_43 = tpu.memref_squeeze %dma_wait3A_42 : memref<1x250xi32, #tpu.memory_space<vmem>> -> memref<250xi32, #tpu.memory_space<vmem>>
      %dma_wait3A_44 = arith.constant 0 : i32
      %dma_wait3A_45 = arith.constant 0 : i32
      %dma_wait3A_46 = tpu.memref_slice %arg6[%dma_wait3A_44, %dma_wait3A_45] : memref<10112x16xf32, #tpu.memory_space<vmem_shared>> -> memref<10112x16xf32, #tpu.memory_space<vmem_shared>>
      tpu.wait_indirect_dma semaphore(%arg13 : memref<!tpu.dma_semaphore, #tpu.memory_space<semaphore_mem>>) src(%dma_wait3A_46 : memref<10112x16xf32, #tpu.memory_space<vmem_shared>>) dst(%arg10 : memref<250x16xf32, #tpu.memory_space<vmem>>)
      %gt3A = arith.constant 0 : i32
      %gt3A_47 = arith.cmpi sgt, %scan3A_37, %gt3A : i32
      %convert_element_type3A = arith.extui %gt3A_47 : i1 to i32
      %cond3A = arith.constant 0 : i32
      %cond3A_48 = arith.cmpi ne, %convert_element_type3A, %cond3A : i32
      scf.if %cond3A_48 {
        %dma_wait3A_90 = arith.constant 0 : i32
        %dma_wait3A_91 = tpu.memref_slice %arg9[%mul3A_40, %dma_wait3A_90] : memref<80x250xi32, #tpu.memory_space<vmem>> -> memref<1x250xi32, #tpu.memory_space<vmem>>
        %dma_wait3A_92 = tpu.memref_squeeze %dma_wait3A_91 : memref<1x250xi32, #tpu.memory_space<vmem>> -> memref<250xi32, #tpu.memory_space<vmem>>
        %dma_wait3A_93 = arith.constant 0 : i32
        %dma_wait3A_94 = arith.constant 0 : i32
        %dma_wait3A_95 = tpu.memref_slice %arg7[%dma_wait3A_93, %dma_wait3A_94] : memref<10112x16xf32, #tpu.memory_space<vmem_shared>> -> memref<10112x16xf32, #tpu.memory_space<vmem_shared>>
        tpu.wait_indirect_dma semaphore(%arg16 : memref<!tpu.dma_semaphore, #tpu.memory_space<semaphore_mem>>) src(%arg11 : memref<250x16xf32, #tpu.memory_space<vmem>>) dst(%dma_wait3A_95 : memref<10112x16xf32, #tpu.memory_space<vmem_shared>>)
      } else {
      }
      %add3A_49 = arith.constant 1 : i32
      %add3A_50 = arith.addi %mul3A_40, %add3A_49 : i32
      %dma_start3A_51 = arith.constant 0 : i32
      %dma_start3A_52 = tpu.memref_slice %arg8[%add3A_50, %dma_start3A_51] : memref<80x250xi32, #tpu.memory_space<vmem>> -> memref<1x250xi32, #tpu.memory_space<vmem>>
      %dma_start3A_53 = tpu.memref_squeeze %dma_start3A_52 : memref<1x250xi32, #tpu.memory_space<vmem>> -> memref<250xi32, #tpu.memory_space<vmem>>
      %dma_start3A_54 = arith.constant 0 : i32
      %dma_start3A_55 = arith.constant 0 : i32
      %dma_start3A_56 = tpu.memref_slice %arg6[%dma_start3A_54, %dma_start3A_55] : memref<10112x16xf32, #tpu.memory_space<vmem_shared>> -> memref<10112x16xf32, #tpu.memory_space<vmem_shared>>
      tpu.enqueue_indirect_dma source(%dma_start3A_56 : memref<10112x16xf32, #tpu.memory_space<vmem_shared>>) target(%arg11 : memref<250x16xf32, #tpu.memory_space<vmem>>) offsets(%dma_start3A_53 : memref<250xi32, #tpu.memory_space<vmem>>) semaphore(%arg14 : memref<!tpu.dma_semaphore, #tpu.memory_space<semaphore_mem>>)
      %dma_start3A_57 = arith.constant 0 : i32
      %dma_start3A_58 = tpu.memref_slice %arg9[%mul3A_40, %dma_start3A_57] : memref<80x250xi32, #tpu.memory_space<vmem>> -> memref<1x250xi32, #tpu.memory_space<vmem>>
      %dma_start3A_59 = tpu.memref_squeeze %dma_start3A_58 : memref<1x250xi32, #tpu.memory_space<vmem>> -> memref<250xi32, #tpu.memory_space<vmem>>
      %dma_start3A_60 = arith.constant 0 : i32
      %dma_start3A_61 = arith.constant 0 : i32
      %dma_start3A_62 = tpu.memref_slice %arg7[%dma_start3A_60, %dma_start3A_61] : memref<10112x16xf32, #tpu.memory_space<vmem_shared>> -> memref<10112x16xf32, #tpu.memory_space<vmem_shared>>
      tpu.enqueue_indirect_dma source(%arg10 : memref<250x16xf32, #tpu.memory_space<vmem>>) target(%dma_start3A_62 : memref<10112x16xf32, #tpu.memory_space<vmem_shared>>) offsets(%dma_start3A_59 : memref<250xi32, #tpu.memory_space<vmem>>) semaphore(%arg15 : memref<!tpu.dma_semaphore, #tpu.memory_space<semaphore_mem>>) {add = true}
      %dma_wait3A_63 = arith.constant 0 : i32
      %dma_wait3A_64 = tpu.memref_slice %arg8[%mul3A_40, %dma_wait3A_63] : memref<80x250xi32, #tpu.memory_space<vmem>> -> memref<1x250xi32, #tpu.memory_space<vmem>>
      %dma_wait3A_65 = tpu.memref_squeeze %dma_wait3A_64 : memref<1x250xi32, #tpu.memory_space<vmem>> -> memref<250xi32, #tpu.memory_space<vmem>>
      %dma_wait3A_66 = arith.constant 0 : i32
      %dma_wait3A_67 = arith.constant 0 : i32
      %dma_wait3A_68 = tpu.memref_slice %arg6[%dma_wait3A_66, %dma_wait3A_67] : memref<10112x16xf32, #tpu.memory_space<vmem_shared>> -> memref<10112x16xf32, #tpu.memory_space<vmem_shared>>
      tpu.wait_indirect_dma semaphore(%arg14 : memref<!tpu.dma_semaphore, #tpu.memory_space<semaphore_mem>>) src(%dma_wait3A_68 : memref<10112x16xf32, #tpu.memory_space<vmem_shared>>) dst(%arg11 : memref<250x16xf32, #tpu.memory_space<vmem>>)
      %dma_wait3A_69 = arith.constant 0 : i32
      %dma_wait3A_70 = tpu.memref_slice %arg9[%mul3A_40, %dma_wait3A_69] : memref<80x250xi32, #tpu.memory_space<vmem>> -> memref<1x250xi32, #tpu.memory_space<vmem>>
      %dma_wait3A_71 = tpu.memref_squeeze %dma_wait3A_70 : memref<1x250xi32, #tpu.memory_space<vmem>> -> memref<250xi32, #tpu.memory_space<vmem>>
      %dma_wait3A_72 = arith.constant 0 : i32
      %dma_wait3A_73 = arith.constant 0 : i32
      %dma_wait3A_74 = tpu.memref_slice %arg7[%dma_wait3A_72, %dma_wait3A_73] : memref<10112x16xf32, #tpu.memory_space<vmem_shared>> -> memref<10112x16xf32, #tpu.memory_space<vmem_shared>>
      tpu.wait_indirect_dma semaphore(%arg15 : memref<!tpu.dma_semaphore, #tpu.memory_space<semaphore_mem>>) src(%arg10 : memref<250x16xf32, #tpu.memory_space<vmem>>) dst(%dma_wait3A_74 : memref<10112x16xf32, #tpu.memory_space<vmem_shared>>)
      %add3A_75 = arith.constant 1 : i32
      %add3A_76 = arith.addi %scan3A_37, %add3A_75 : i32
      %lt3A = arith.constant 40 : i32
      %lt3A_77 = arith.cmpi slt, %add3A_76, %lt3A : i32
      %convert_element_type3A_78 = arith.extui %lt3A_77 : i1 to i32
      %cond3A_79 = arith.constant 0 : i32
      %cond3A_80 = arith.cmpi ne, %convert_element_type3A_78, %cond3A_79 : i32
      scf.if %cond3A_80 {
        %add3A_90 = arith.constant 2 : i32
        %add3A_91 = arith.addi %mul3A_40, %add3A_90 : i32
        %dma_start3A_92 = arith.constant 0 : i32
        %dma_start3A_93 = tpu.memref_slice %arg8[%add3A_91, %dma_start3A_92] : memref<80x250xi32, #tpu.memory_space<vmem>> -> memref<1x250xi32, #tpu.memory_space<vmem>>
        %dma_start3A_94 = tpu.memref_squeeze %dma_start3A_93 : memref<1x250xi32, #tpu.memory_space<vmem>> -> memref<250xi32, #tpu.memory_space<vmem>>
        %dma_start3A_95 = arith.constant 0 : i32
        %dma_start3A_96 = arith.constant 0 : i32
        %dma_start3A_97 = tpu.memref_slice %arg6[%dma_start3A_95, %dma_start3A_96] : memref<10112x16xf32, #tpu.memory_space<vmem_shared>> -> memref<10112x16xf32, #tpu.memory_space<vmem_shared>>
        tpu.enqueue_indirect_dma source(%dma_start3A_97 : memref<10112x16xf32, #tpu.memory_space<vmem_shared>>) target(%arg10 : memref<250x16xf32, #tpu.memory_space<vmem>>) offsets(%dma_start3A_94 : memref<250xi32, #tpu.memory_space<vmem>>) semaphore(%arg13 : memref<!tpu.dma_semaphore, #tpu.memory_space<semaphore_mem>>)
      } else {
      }
      %add3A_81 = arith.constant 1 : i32
      %add3A_82 = arith.addi %mul3A_40, %add3A_81 : i32
      %dma_start3A_83 = arith.constant 0 : i32
      %dma_start3A_84 = tpu.memref_slice %arg9[%add3A_82, %dma_start3A_83] : memref<80x250xi32, #tpu.memory_space<vmem>> -> memref<1x250xi32, #tpu.memory_space<vmem>>
      %dma_start3A_85 = tpu.memref_squeeze %dma_start3A_84 : memref<1x250xi32, #tpu.memory_space<vmem>> -> memref<250xi32, #tpu.memory_space<vmem>>
      %dma_start3A_86 = arith.constant 0 : i32
      %dma_start3A_87 = arith.constant 0 : i32
      %dma_start3A_88 = tpu.memref_slice %arg7[%dma_start3A_86, %dma_start3A_87] : memref<10112x16xf32, #tpu.memory_space<vmem_shared>> -> memref<10112x16xf32, #tpu.memory_space<vmem_shared>>
      tpu.enqueue_indirect_dma source(%arg11 : memref<250x16xf32, #tpu.memory_space<vmem>>) target(%dma_start3A_88 : memref<10112x16xf32, #tpu.memory_space<vmem_shared>>) offsets(%dma_start3A_85 : memref<250xi32, #tpu.memory_space<vmem>>) semaphore(%arg16 : memref<!tpu.dma_semaphore, #tpu.memory_space<semaphore_mem>>) {add = true}
      %scan3A_89 = arith.constant 0 : i32
      scf.yield %scan3A_89 : i32
    }
    %scan3A_25 = arith.constant 40 : i32
    %dma_wait3A = arith.constant 0 : i32
    %dma_wait3A_26 = arith.constant 0 : i32
    %dma_wait3A_27 = tpu.memref_slice %arg9[%dma_wait3A, %dma_wait3A_26] : memref<80x250xi32, #tpu.memory_space<vmem>> -> memref<1x250xi32, #tpu.memory_space<vmem>>
    %dma_wait3A_28 = tpu.memref_squeeze %dma_wait3A_27 : memref<1x250xi32, #tpu.memory_space<vmem>> -> memref<250xi32, #tpu.memory_space<vmem>>
    %dma_wait3A_29 = arith.constant 0 : i32
    %dma_wait3A_30 = arith.constant 0 : i32
    %dma_wait3A_31 = tpu.memref_slice %arg7[%dma_wait3A_29, %dma_wait3A_30] : memref<10112x16xf32, #tpu.memory_space<vmem_shared>> -> memref<10112x16xf32, #tpu.memory_space<vmem_shared>>
    tpu.wait_indirect_dma semaphore(%arg16 : memref<!tpu.dma_semaphore, #tpu.memory_space<semaphore_mem>>) src(%arg11 : memref<250x16xf32, #tpu.memory_space<vmem>>) dst(%dma_wait3A_31 : memref<10112x16xf32, #tpu.memory_space<vmem_shared>>)
    %barrier3A_32 = arith.constant 0 : index
    tpu.barrier barrier_id(%barrier3A_32)
    %mul3A_33 = arith.constant 632 : i32
    %mul3A_34 = arith.muli %arg1, %mul3A_33 : i32
    %mul3A_35 = arith.constant 632 : i32
    %mul3A_36 = arith.muli %arg1, %mul3A_35 : i32
    "tpu.region"() ({
      %run_scoped3A = tpu.sem_alloc : memref<!tpu.dma_semaphore, #tpu.memory_space<semaphore_mem>>
      %dma_start3A_37 = arith.constant 0 : i32
      %dma_start3A_38 = tpu.memref_slice %arg5[%arg0, %mul3A_36, %dma_start3A_37] : memref<2x10112x16xf32, #tpu.memory_space<hbm>> -> memref<1x632x16xf32, #tpu.memory_space<hbm>>
      %dma_start3A_39 = tpu.memref_squeeze %dma_start3A_38 : memref<1x632x16xf32, #tpu.memory_space<hbm>> -> memref<632x16xf32, #tpu.memory_space<hbm>>
      %dma_start3A_40 = arith.constant 0 : i32
      %dma_start3A_41 = tpu.memref_slice %arg7[%mul3A_34, %dma_start3A_40] : memref<10112x16xf32, #tpu.memory_space<vmem_shared>> -> memref<632x16xf32, #tpu.memory_space<vmem_shared>>
      tpu.enqueue_dma source(%dma_start3A_41 : memref<632x16xf32, #tpu.memory_space<vmem_shared>>) target(%dma_start3A_39 : memref<632x16xf32, #tpu.memory_space<hbm>>) target_semaphore(%run_scoped3A : memref<!tpu.dma_semaphore, #tpu.memory_space<semaphore_mem>>)
      %dma_wait3A_42 = arith.constant 0 : i32
      %dma_wait3A_43 = tpu.memref_slice %arg5[%arg0, %mul3A_36, %dma_wait3A_42] : memref<2x10112x16xf32, #tpu.memory_space<hbm>> -> memref<1x632x16xf32, #tpu.memory_space<hbm>>
      %dma_wait3A_44 = tpu.memref_squeeze %dma_wait3A_43 : memref<1x632x16xf32, #tpu.memory_space<hbm>> -> memref<632x16xf32, #tpu.memory_space<hbm>>
      %dma_wait3A_45 = arith.constant 0 : i32
      %dma_wait3A_46 = tpu.memref_slice %arg7[%mul3A_34, %dma_wait3A_45] : memref<10112x16xf32, #tpu.memory_space<vmem_shared>> -> memref<632x16xf32, #tpu.memory_space<vmem_shared>>
      tpu.wait_dma2 semaphore(%run_scoped3A : memref<!tpu.dma_semaphore, #tpu.memory_space<semaphore_mem>>) src(%dma_wait3A_46 : memref<632x16xf32, #tpu.memory_space<vmem_shared>>) dst(%dma_wait3A_44 : memref<632x16xf32, #tpu.memory_space<hbm>>)
      tpu.yield
    }) : () -> ()
    return
  }
}

module attributes {stable_mosaic.version = 14 : i64} {
  func.func @_tc1_body(%arg0: memref<10000x128xf32, #tpu.memory_space<vmem>>, %arg1: memref<128x16xf32, #tpu.memory_space<vmem>>, %arg2: memref<2x10112x8xf32, #tpu.memory_space<vmem>>, %arg3: memref<10112x16xf32, #tpu.memory_space<vmem>>, %arg4: memref<10000x1xf32, #tpu.memory_space<vmem>>) attributes {dimension_semantics = [], scalar_prefetch = 0 : i64, scratch_operands = 0 : i64, tpu.core_type = #tpu.core_type<tc>} {
    %get3A = arith.constant 0 : index
    %get3A_0 = arith.constant 0 : index
    %get3A_1 = arith.constant 0 : index
    %get3A_2 = vector.load %arg2[%get3A, %get3A_0, %get3A_1] : memref<2x10112x8xf32, #tpu.memory_space<vmem>>, vector<1x10000x1xf32>
    %get3A_3 = vector.shape_cast %get3A_2 : vector<1x10000x1xf32> to vector<10000x1xf32>
    %get3A_4 = arith.constant 1 : index
    %get3A_5 = arith.constant 0 : index
    %get3A_6 = arith.constant 0 : index
    %get3A_7 = vector.load %arg2[%get3A_4, %get3A_5, %get3A_6] : memref<2x10112x8xf32, #tpu.memory_space<vmem>>, vector<1x10000x1xf32>
    %get3A_8 = vector.shape_cast %get3A_7 : vector<1x10000x1xf32> to vector<10000x1xf32>
    %add3A = arith.addf %get3A_3, %get3A_8 : vector<10000x1xf32>
    %add3A_9 = arith.constant 1.000000e+00 : f32
    %add3A_10 = vector.broadcast %add3A_9 : f32 to vector<10000x1xf32>
    %add3A_11 = arith.addf %add3A, %add3A_10 : vector<10000x1xf32>
    %rsqrt3A = math.rsqrt %add3A_11 : vector<10000x1xf32>
    %get3A_12 = arith.constant 0 : index
    %get3A_13 = arith.constant 0 : index
    %get3A_14 = vector.load %arg0[%get3A_12, %get3A_13] : memref<10000x128xf32, #tpu.memory_space<vmem>>, vector<10000x128xf32>
    %get3A_15 = arith.constant 0 : index
    %get3A_16 = arith.constant 0 : index
    %get3A_17 = vector.load %arg1[%get3A_15, %get3A_16] : memref<128x16xf32, #tpu.memory_space<vmem>>, vector<128x16xf32>
    %dot_general3A = arith.constant dense<0.000000e+00> : vector<10000x16xf32>
    %dot_general3A_18 = tpu.matmul %get3A_14, %get3A_17, %dot_general3A {dimension_numbers = #tpu.dot_dimension_numbers<[1], [0], [0], [1], [0, 0, 1, 1], [], []>, transpose_lhs_hint = false} : vector<10000x128xf32>, vector<128x16xf32>, vector<10000x16xf32> -> vector<10000x16xf32>
    %mul3A = vector.broadcast %rsqrt3A : vector<10000x1xf32> to vector<10000x16xf32>
    %mul3A_19 = arith.mulf %dot_general3A_18, %mul3A : vector<10000x16xf32>
    %swap3A = arith.constant 0 : index
    %swap3A_20 = arith.constant 0 : index
    %swap3A_21 = vector.load %arg3[%swap3A, %swap3A_20] : memref<10112x16xf32, #tpu.memory_space<vmem>>, vector<10000x16xf32>
    tpu.vector_store %arg3[%swap3A, %swap3A_20], %mul3A_19 {strides = array<i32>} : memref<10112x16xf32, #tpu.memory_space<vmem>>, vector<10000x16xf32>,
    %broadcast_in_dim3A = arith.constant 0.000000e+00 : f32
    %broadcast_in_dim3A_22 = vector.broadcast %broadcast_in_dim3A : f32 to vector<112x16xf32>
    %swap3A_23 = arith.constant 10000 : index
    %swap3A_24 = arith.constant 0 : index
    %swap3A_25 = vector.load %arg3[%swap3A_23, %swap3A_24] : memref<10112x16xf32, #tpu.memory_space<vmem>>, vector<112x16xf32>
    tpu.vector_store %arg3[%swap3A_23, %swap3A_24], %broadcast_in_dim3A_22 {strides = array<i32>} : memref<10112x16xf32, #tpu.memory_space<vmem>>, vector<112x16xf32>,
    %swap3A_26 = arith.constant 0 : index
    %swap3A_27 = arith.constant 0 : index
    %swap3A_28 = vector.load %arg4[%swap3A_26, %swap3A_27] : memref<10000x1xf32, #tpu.memory_space<vmem>>, vector<10000x1xf32>
    tpu.vector_store %arg4[%swap3A_26, %swap3A_27], %rsqrt3A {strides = array<i32>} : memref<10000x1xf32, #tpu.memory_space<vmem>>, vector<10000x1xf32>,
    return
  }
}

module attributes {stable_mosaic.version = 14 : i64} {
  func.func @_tc_mid_body(%arg0: memref<2x10112x16xf32, #tpu.memory_space<vmem>>, %arg1: memref<10112x16xf32, #tpu.memory_space<vmem>>, %arg2: memref<10000x1xf32, #tpu.memory_space<vmem>>, %arg3: memref<1x16xf32, #tpu.memory_space<vmem>>, %arg4: memref<1x16xf32, #tpu.memory_space<vmem>>, %arg5: memref<1x16xf32, #tpu.memory_space<vmem>>, %arg6: memref<16x32xf32, #tpu.memory_space<vmem>>, %arg7: memref<10112x32xf32, #tpu.memory_space<vmem>>) attributes {dimension_semantics = [], scalar_prefetch = 0 : i64, scratch_operands = 0 : i64, tpu.core_type = #tpu.core_type<tc>} {
    %get3A = arith.constant 0 : index
    %get3A_0 = arith.constant 0 : index
    %get3A_1 = vector.load %arg2[%get3A, %get3A_0] : memref<10000x1xf32, #tpu.memory_space<vmem>>, vector<10000x1xf32>
    %get3A_2 = arith.constant 0 : index
    %get3A_3 = arith.constant 0 : index
    %get3A_4 = arith.constant 0 : index
    %get3A_5 = vector.load %arg0[%get3A_2, %get3A_3, %get3A_4] : memref<2x10112x16xf32, #tpu.memory_space<vmem>>, vector<1x10000x16xf32>
    %get3A_6 = vector.shape_cast %get3A_5 : vector<1x10000x16xf32> to vector<10000x16xf32>
    %get3A_7 = arith.constant 1 : index
    %get3A_8 = arith.constant 0 : index
    %get3A_9 = arith.constant 0 : index
    %get3A_10 = vector.load %arg0[%get3A_7, %get3A_8, %get3A_9] : memref<2x10112x16xf32, #tpu.memory_space<vmem>>, vector<1x10000x16xf32>
    %get3A_11 = vector.shape_cast %get3A_10 : vector<1x10000x16xf32> to vector<10000x16xf32>
    %add3A = arith.addf %get3A_6, %get3A_11 : vector<10000x16xf32>
    %get3A_12 = arith.constant 0 : index
    %get3A_13 = arith.constant 0 : index
    %get3A_14 = vector.load %arg1[%get3A_12, %get3A_13] : memref<10112x16xf32, #tpu.memory_space<vmem>>, vector<10000x16xf32>
    %add3A_15 = arith.addf %add3A, %get3A_14 : vector<10000x16xf32>
    %mul3A = vector.broadcast %get3A_1 : vector<10000x1xf32> to vector<10000x16xf32>
    %mul3A_16 = arith.mulf %add3A_15, %mul3A : vector<10000x16xf32>
    %get3A_17 = arith.constant 0 : index
    %get3A_18 = arith.constant 0 : index
    %get3A_19 = vector.load %arg3[%get3A_17, %get3A_18] : memref<1x16xf32, #tpu.memory_space<vmem>>, vector<1x16xf32>
    %add3A_20 = vector.broadcast %get3A_19 : vector<1x16xf32> to vector<10000x16xf32>
    %add3A_21 = arith.addf %mul3A_16, %add3A_20 : vector<10000x16xf32>
    %reduce_sum3A = arith.constant dense<0.000000e+00> : vector<16xf32>
    %reduce_sum3A_22 = vector.multi_reduction <add>, %add3A_21, %reduce_sum3A [0] : vector<10000x16xf32> to vector<16xf32>
    %broadcast_in_dim3A = vector.shape_cast %reduce_sum3A_22 : vector<16xf32> to vector<1x16xf32>
    %div3A = arith.constant 1.000000e+04 : f32
    %div3A_23 = vector.broadcast %div3A : f32 to vector<1x16xf32>
    %div3A_24 = arith.divf %broadcast_in_dim3A, %div3A_23 : vector<1x16xf32>
    %sub3A = vector.broadcast %div3A_24 : vector<1x16xf32> to vector<10000x16xf32>
    %sub3A_25 = arith.subf %add3A_21, %sub3A : vector<10000x16xf32>
    %integer_pow3A = arith.mulf %sub3A_25, %sub3A_25 : vector<10000x16xf32>
    %reduce_sum3A_26 = arith.constant dense<0.000000e+00> : vector<16xf32>
    %reduce_sum3A_27 = vector.multi_reduction <add>, %integer_pow3A, %reduce_sum3A_26 [0] : vector<10000x16xf32> to vector<16xf32>
    %broadcast_in_dim3A_28 = vector.shape_cast %reduce_sum3A_27 : vector<16xf32> to vector<1x16xf32>
    %div3A_29 = arith.constant 1.000000e+04 : f32
    %div3A_30 = vector.broadcast %div3A_29 : f32 to vector<1x16xf32>
    %div3A_31 = arith.divf %broadcast_in_dim3A_28, %div3A_30 : vector<1x16xf32>
    %sub3A_32 = vector.broadcast %div3A_24 : vector<1x16xf32> to vector<10000x16xf32>
    %sub3A_33 = arith.subf %add3A_21, %sub3A_32 : vector<10000x16xf32>
    %add3A_34 = arith.constant 9.99999974E-6 : f32
    %add3A_35 = vector.broadcast %add3A_34 : f32 to vector<1x16xf32>
    %add3A_36 = arith.addf %div3A_31, %add3A_35 : vector<1x16xf32>
    %rsqrt3A = math.rsqrt %add3A_36 : vector<1x16xf32>
    %mul3A_37 = vector.broadcast %rsqrt3A : vector<1x16xf32> to vector<10000x16xf32>
    %mul3A_38 = arith.mulf %sub3A_33, %mul3A_37 : vector<10000x16xf32>
    %get3A_39 = arith.constant 0 : index
    %get3A_40 = arith.constant 0 : index
    %get3A_41 = vector.load %arg4[%get3A_39, %get3A_40] : memref<1x16xf32, #tpu.memory_space<vmem>>, vector<1x16xf32>
    %mul3A_42 = vector.broadcast %get3A_41 : vector<1x16xf32> to vector<10000x16xf32>
    %mul3A_43 = arith.mulf %mul3A_38, %mul3A_42 : vector<10000x16xf32>
    %get3A_44 = arith.constant 0 : index
    %get3A_45 = arith.constant 0 : index
    %get3A_46 = vector.load %arg5[%get3A_44, %get3A_45] : memref<1x16xf32, #tpu.memory_space<vmem>>, vector<1x16xf32>
    %add3A_47 = vector.broadcast %get3A_46 : vector<1x16xf32> to vector<10000x16xf32>
    %add3A_48 = arith.addf %mul3A_43, %add3A_47 : vector<10000x16xf32>
    %integer_pow3A_49 = arith.mulf %add3A_48, %add3A_48 : vector<10000x16xf32>
    %integer_pow3A_50 = arith.mulf %add3A_48, %integer_pow3A_49 : vector<10000x16xf32>
    %mul3A_51 = arith.constant 4.471500e-02 : f32
    %mul3A_52 = vector.broadcast %mul3A_51 : f32 to vector<10000x16xf32>
    %mul3A_53 = arith.mulf %mul3A_52, %integer_pow3A_50 : vector<10000x16xf32>
    %add3A_54 = arith.addf %add3A_48, %mul3A_53 : vector<10000x16xf32>
    %mul3A_55 = arith.constant 0.797884583 : f32
    %mul3A_56 = vector.broadcast %mul3A_55 : f32 to vector<10000x16xf32>
    %mul3A_57 = arith.mulf %mul3A_56, %add3A_54 : vector<10000x16xf32>
    %tanh3A = math.tanh %mul3A_57 : vector<10000x16xf32>
    %add3A_58 = arith.constant 1.000000e+00 : f32
    %add3A_59 = vector.broadcast %add3A_58 : f32 to vector<10000x16xf32>
    %add3A_60 = arith.addf %add3A_59, %tanh3A : vector<10000x16xf32>
    %mul3A_61 = arith.constant 5.000000e-01 : f32
    %mul3A_62 = vector.broadcast %mul3A_61 : f32 to vector<10000x16xf32>
    %mul3A_63 = arith.mulf %mul3A_62, %add3A_60 : vector<10000x16xf32>
    %mul3A_64 = arith.mulf %add3A_48, %mul3A_63 : vector<10000x16xf32>
    %get3A_65 = arith.constant 0 : index
    %get3A_66 = arith.constant 0 : index
    %get3A_67 = vector.load %arg6[%get3A_65, %get3A_66] : memref<16x32xf32, #tpu.memory_space<vmem>>, vector<16x32xf32>
    %dot_general3A = arith.constant dense<0.000000e+00> : vector<10000x32xf32>
    %dot_general3A_68 = tpu.matmul %mul3A_64, %get3A_67, %dot_general3A {dimension_numbers = #tpu.dot_dimension_numbers<[1], [0], [0], [1], [0, 0, 1, 1], [], []>, transpose_lhs_hint = false} : vector<10000x16xf32>, vector<16x32xf32>, vector<10000x32xf32> -> vector<10000x32xf32>
    %mul3A_69 = vector.broadcast %get3A_1 : vector<10000x1xf32> to vector<10000x32xf32>
    %mul3A_70 = arith.mulf %dot_general3A_68, %mul3A_69 : vector<10000x32xf32>
    %swap3A = arith.constant 0 : index
    %swap3A_71 = arith.constant 0 : index
    %swap3A_72 = vector.load %arg7[%swap3A, %swap3A_71] : memref<10112x32xf32, #tpu.memory_space<vmem>>, vector<10000x32xf32>
    tpu.vector_store %arg7[%swap3A, %swap3A_71], %mul3A_70 {strides = array<i32>} : memref<10112x32xf32, #tpu.memory_space<vmem>>, vector<10000x32xf32>,
    %broadcast_in_dim3A_73 = arith.constant 0.000000e+00 : f32
    %broadcast_in_dim3A_74 = vector.broadcast %broadcast_in_dim3A_73 : f32 to vector<112x32xf32>
    %swap3A_75 = arith.constant 10000 : index
    %swap3A_76 = arith.constant 0 : index
    %swap3A_77 = vector.load %arg7[%swap3A_75, %swap3A_76] : memref<10112x32xf32, #tpu.memory_space<vmem>>, vector<112x32xf32>
    tpu.vector_store %arg7[%swap3A_75, %swap3A_76], %broadcast_in_dim3A_74 {strides = array<i32>} : memref<10112x32xf32, #tpu.memory_space<vmem>>, vector<112x32xf32>,
    return
  }
}

module attributes {stable_mosaic.version = 14 : i64} {
  func.func @_tc_mid_body(%arg0: memref<2x10112x32xf32, #tpu.memory_space<vmem>>, %arg1: memref<10112x32xf32, #tpu.memory_space<vmem>>, %arg2: memref<10000x1xf32, #tpu.memory_space<vmem>>, %arg3: memref<1x32xf32, #tpu.memory_space<vmem>>, %arg4: memref<1x32xf32, #tpu.memory_space<vmem>>, %arg5: memref<1x32xf32, #tpu.memory_space<vmem>>, %arg6: memref<32x16xf32, #tpu.memory_space<vmem>>, %arg7: memref<10112x16xf32, #tpu.memory_space<vmem>>) attributes {dimension_semantics = [], scalar_prefetch = 0 : i64, scratch_operands = 0 : i64, tpu.core_type = #tpu.core_type<tc>} {
    %get3A = arith.constant 0 : index
    %get3A_0 = arith.constant 0 : index
    %get3A_1 = vector.load %arg2[%get3A, %get3A_0] : memref<10000x1xf32, #tpu.memory_space<vmem>>, vector<10000x1xf32>
    %get3A_2 = arith.constant 0 : index
    %get3A_3 = arith.constant 0 : index
    %get3A_4 = arith.constant 0 : index
    %get3A_5 = vector.load %arg0[%get3A_2, %get3A_3, %get3A_4] : memref<2x10112x32xf32, #tpu.memory_space<vmem>>, vector<1x10000x32xf32>
    %get3A_6 = vector.shape_cast %get3A_5 : vector<1x10000x32xf32> to vector<10000x32xf32>
    %get3A_7 = arith.constant 1 : index
    %get3A_8 = arith.constant 0 : index
    %get3A_9 = arith.constant 0 : index
    %get3A_10 = vector.load %arg0[%get3A_7, %get3A_8, %get3A_9] : memref<2x10112x32xf32, #tpu.memory_space<vmem>>, vector<1x10000x32xf32>
    %get3A_11 = vector.shape_cast %get3A_10 : vector<1x10000x32xf32> to vector<10000x32xf32>
    %add3A = arith.addf %get3A_6, %get3A_11 : vector<10000x32xf32>
    %get3A_12 = arith.constant 0 : index
    %get3A_13 = arith.constant 0 : index
    %get3A_14 = vector.load %arg1[%get3A_12, %get3A_13] : memref<10112x32xf32, #tpu.memory_space<vmem>>, vector<10000x32xf32>
    %add3A_15 = arith.addf %add3A, %get3A_14 : vector<10000x32xf32>
    %mul3A = vector.broadcast %get3A_1 : vector<10000x1xf32> to vector<10000x32xf32>
    %mul3A_16 = arith.mulf %add3A_15, %mul3A : vector<10000x32xf32>
    %get3A_17 = arith.constant 0 : index
    %get3A_18 = arith.constant 0 : index
    %get3A_19 = vector.load %arg3[%get3A_17, %get3A_18] : memref<1x32xf32, #tpu.memory_space<vmem>>, vector<1x32xf32>
    %add3A_20 = vector.broadcast %get3A_19 : vector<1x32xf32> to vector<10000x32xf32>
    %add3A_21 = arith.addf %mul3A_16, %add3A_20 : vector<10000x32xf32>
    %reduce_sum3A = arith.constant dense<0.000000e+00> : vector<32xf32>
    %reduce_sum3A_22 = vector.multi_reduction <add>, %add3A_21, %reduce_sum3A [0] : vector<10000x32xf32> to vector<32xf32>
    %broadcast_in_dim3A = vector.shape_cast %reduce_sum3A_22 : vector<32xf32> to vector<1x32xf32>
    %div3A = arith.constant 1.000000e+04 : f32
    %div3A_23 = vector.broadcast %div3A : f32 to vector<1x32xf32>
    %div3A_24 = arith.divf %broadcast_in_dim3A, %div3A_23 : vector<1x32xf32>
    %sub3A = vector.broadcast %div3A_24 : vector<1x32xf32> to vector<10000x32xf32>
    %sub3A_25 = arith.subf %add3A_21, %sub3A : vector<10000x32xf32>
    %integer_pow3A = arith.mulf %sub3A_25, %sub3A_25 : vector<10000x32xf32>
    %reduce_sum3A_26 = arith.constant dense<0.000000e+00> : vector<32xf32>
    %reduce_sum3A_27 = vector.multi_reduction <add>, %integer_pow3A, %reduce_sum3A_26 [0] : vector<10000x32xf32> to vector<32xf32>
    %broadcast_in_dim3A_28 = vector.shape_cast %reduce_sum3A_27 : vector<32xf32> to vector<1x32xf32>
    %div3A_29 = arith.constant 1.000000e+04 : f32
    %div3A_30 = vector.broadcast %div3A_29 : f32 to vector<1x32xf32>
    %div3A_31 = arith.divf %broadcast_in_dim3A_28, %div3A_30 : vector<1x32xf32>
    %sub3A_32 = vector.broadcast %div3A_24 : vector<1x32xf32> to vector<10000x32xf32>
    %sub3A_33 = arith.subf %add3A_21, %sub3A_32 : vector<10000x32xf32>
    %add3A_34 = arith.constant 9.99999974E-6 : f32
    %add3A_35 = vector.broadcast %add3A_34 : f32 to vector<1x32xf32>
    %add3A_36 = arith.addf %div3A_31, %add3A_35 : vector<1x32xf32>
    %rsqrt3A = math.rsqrt %add3A_36 : vector<1x32xf32>
    %mul3A_37 = vector.broadcast %rsqrt3A : vector<1x32xf32> to vector<10000x32xf32>
    %mul3A_38 = arith.mulf %sub3A_33, %mul3A_37 : vector<10000x32xf32>
    %get3A_39 = arith.constant 0 : index
    %get3A_40 = arith.constant 0 : index
    %get3A_41 = vector.load %arg4[%get3A_39, %get3A_40] : memref<1x32xf32, #tpu.memory_space<vmem>>, vector<1x32xf32>
    %mul3A_42 = vector.broadcast %get3A_41 : vector<1x32xf32> to vector<10000x32xf32>
    %mul3A_43 = arith.mulf %mul3A_38, %mul3A_42 : vector<10000x32xf32>
    %get3A_44 = arith.constant 0 : index
    %get3A_45 = arith.constant 0 : index
    %get3A_46 = vector.load %arg5[%get3A_44, %get3A_45] : memref<1x32xf32, #tpu.memory_space<vmem>>, vector<1x32xf32>
    %add3A_47 = vector.broadcast %get3A_46 : vector<1x32xf32> to vector<10000x32xf32>
    %add3A_48 = arith.addf %mul3A_43, %add3A_47 : vector<10000x32xf32>
    %integer_pow3A_49 = arith.mulf %add3A_48, %add3A_48 : vector<10000x32xf32>
    %integer_pow3A_50 = arith.mulf %add3A_48, %integer_pow3A_49 : vector<10000x32xf32>
    %mul3A_51 = arith.constant 4.471500e-02 : f32
    %mul3A_52 = vector.broadcast %mul3A_51 : f32 to vector<10000x32xf32>
    %mul3A_53 = arith.mulf %mul3A_52, %integer_pow3A_50 : vector<10000x32xf32>
    %add3A_54 = arith.addf %add3A_48, %mul3A_53 : vector<10000x32xf32>
    %mul3A_55 = arith.constant 0.797884583 : f32
    %mul3A_56 = vector.broadcast %mul3A_55 : f32 to vector<10000x32xf32>
    %mul3A_57 = arith.mulf %mul3A_56, %add3A_54 : vector<10000x32xf32>
    %tanh3A = math.tanh %mul3A_57 : vector<10000x32xf32>
    %add3A_58 = arith.constant 1.000000e+00 : f32
    %add3A_59 = vector.broadcast %add3A_58 : f32 to vector<10000x32xf32>
    %add3A_60 = arith.addf %add3A_59, %tanh3A : vector<10000x32xf32>
    %mul3A_61 = arith.constant 5.000000e-01 : f32
    %mul3A_62 = vector.broadcast %mul3A_61 : f32 to vector<10000x32xf32>
    %mul3A_63 = arith.mulf %mul3A_62, %add3A_60 : vector<10000x32xf32>
    %mul3A_64 = arith.mulf %add3A_48, %mul3A_63 : vector<10000x32xf32>
    %get3A_65 = arith.constant 0 : index
    %get3A_66 = arith.constant 0 : index
    %get3A_67 = vector.load %arg6[%get3A_65, %get3A_66] : memref<32x16xf32, #tpu.memory_space<vmem>>, vector<32x16xf32>
    %dot_general3A = arith.constant dense<0.000000e+00> : vector<10000x16xf32>
    %dot_general3A_68 = tpu.matmul %mul3A_64, %get3A_67, %dot_general3A {dimension_numbers = #tpu.dot_dimension_numbers<[1], [0], [0], [1], [0, 0, 1, 1], [], []>, transpose_lhs_hint = false} : vector<10000x32xf32>, vector<32x16xf32>, vector<10000x16xf32> -> vector<10000x16xf32>
    %mul3A_69 = vector.broadcast %get3A_1 : vector<10000x1xf32> to vector<10000x16xf32>
    %mul3A_70 = arith.mulf %dot_general3A_68, %mul3A_69 : vector<10000x16xf32>
    %swap3A = arith.constant 0 : index
    %swap3A_71 = arith.constant 0 : index
    %swap3A_72 = vector.load %arg7[%swap3A, %swap3A_71] : memref<10112x16xf32, #tpu.memory_space<vmem>>, vector<10000x16xf32>
    tpu.vector_store %arg7[%swap3A, %swap3A_71], %mul3A_70 {strides = array<i32>} : memref<10112x16xf32, #tpu.memory_space<vmem>>, vector<10000x16xf32>,
    %broadcast_in_dim3A_73 = arith.constant 0.000000e+00 : f32
    %broadcast_in_dim3A_74 = vector.broadcast %broadcast_in_dim3A_73 : f32 to vector<112x16xf32>
    %swap3A_75 = arith.constant 10000 : index
    %swap3A_76 = arith.constant 0 : index
    %swap3A_77 = vector.load %arg7[%swap3A_75, %swap3A_76] : memref<10112x16xf32, #tpu.memory_space<vmem>>, vector<112x16xf32>
    tpu.vector_store %arg7[%swap3A_75, %swap3A_76], %broadcast_in_dim3A_74 {strides = array<i32>} : memref<10112x16xf32, #tpu.memory_space<vmem>>, vector<112x16xf32>,
    return
  }
}

module attributes {stable_mosaic.version = 14 : i64} {
  func.func @_tc_out_body(%arg0: memref<2x10112x16xf32, #tpu.memory_space<vmem>>, %arg1: memref<10112x16xf32, #tpu.memory_space<vmem>>, %arg2: memref<10000x1xf32, #tpu.memory_space<vmem>>, %arg3: memref<1x16xf32, #tpu.memory_space<vmem>>, %arg4: memref<10000x16xf32, #tpu.memory_space<vmem>>) attributes {dimension_semantics = [], scalar_prefetch = 0 : i64, scratch_operands = 0 : i64, tpu.core_type = #tpu.core_type<tc>} {
    %get3A = arith.constant 0 : index
    %get3A_0 = arith.constant 0 : index
    %get3A_1 = arith.constant 0 : index
    %get3A_2 = vector.load %arg0[%get3A, %get3A_0, %get3A_1] : memref<2x10112x16xf32, #tpu.memory_space<vmem>>, vector<1x10000x16xf32>
    %get3A_3 = vector.shape_cast %get3A_2 : vector<1x10000x16xf32> to vector<10000x16xf32>
    %get3A_4 = arith.constant 1 : index
    %get3A_5 = arith.constant 0 : index
    %get3A_6 = arith.constant 0 : index
    %get3A_7 = vector.load %arg0[%get3A_4, %get3A_5, %get3A_6] : memref<2x10112x16xf32, #tpu.memory_space<vmem>>, vector<1x10000x16xf32>
    %get3A_8 = vector.shape_cast %get3A_7 : vector<1x10000x16xf32> to vector<10000x16xf32>
    %add3A = arith.addf %get3A_3, %get3A_8 : vector<10000x16xf32>
    %get3A_9 = arith.constant 0 : index
    %get3A_10 = arith.constant 0 : index
    %get3A_11 = vector.load %arg1[%get3A_9, %get3A_10] : memref<10112x16xf32, #tpu.memory_space<vmem>>, vector<10000x16xf32>
    %add3A_12 = arith.addf %add3A, %get3A_11 : vector<10000x16xf32>
    %get3A_13 = arith.constant 0 : index
    %get3A_14 = arith.constant 0 : index
    %get3A_15 = vector.load %arg2[%get3A_13, %get3A_14] : memref<10000x1xf32, #tpu.memory_space<vmem>>, vector<10000x1xf32>
    %mul3A = vector.broadcast %get3A_15 : vector<10000x1xf32> to vector<10000x16xf32>
    %mul3A_16 = arith.mulf %add3A_12, %mul3A : vector<10000x16xf32>
    %get3A_17 = arith.constant 0 : index
    %get3A_18 = arith.constant 0 : index
    %get3A_19 = vector.load %arg3[%get3A_17, %get3A_18] : memref<1x16xf32, #tpu.memory_space<vmem>>, vector<1x16xf32>
    %add3A_20 = vector.broadcast %get3A_19 : vector<1x16xf32> to vector<10000x16xf32>
    %add3A_21 = arith.addf %mul3A_16, %add3A_20 : vector<10000x16xf32>
    %reduce_max3A = arith.constant dense<0xFF800000> : vector<10000xf32>
    %reduce_max3A_22 = vector.multi_reduction <maximumf>, %add3A_21, %reduce_max3A [1] : vector<10000x16xf32> to vector<10000xf32>
    %broadcast_in_dim3A = vector.shape_cast %reduce_max3A_22 : vector<10000xf32> to vector<10000x1xf32>
    %sub3A = vector.broadcast %broadcast_in_dim3A : vector<10000x1xf32> to vector<10000x16xf32>
    %sub3A_23 = arith.subf %add3A_21, %sub3A : vector<10000x16xf32>
    %exp3A = math.exp %sub3A_23 : vector<10000x16xf32>
    %reduce_sum3A = arith.constant dense<0.000000e+00> : vector<10000xf32>
    %reduce_sum3A_24 = vector.multi_reduction <add>, %exp3A, %reduce_sum3A [1] : vector<10000x16xf32> to vector<10000xf32>
    %broadcast_in_dim3A_25 = vector.shape_cast %reduce_sum3A_24 : vector<10000xf32> to vector<10000x1xf32>
    %log3A = math.log %broadcast_in_dim3A_25 : vector<10000x1xf32>
    %sub3A_26 = vector.broadcast %log3A : vector<10000x1xf32> to vector<10000x16xf32>
    %sub3A_27 = arith.subf %sub3A_23, %sub3A_26 : vector<10000x16xf32>
    %swap3A = arith.constant 0 : index
    %swap3A_28 = arith.constant 0 : index
    %swap3A_29 = vector.load %arg4[%swap3A, %swap3A_28] : memref<10000x16xf32, #tpu.memory_space<vmem>>, vector<10000x16xf32>
    tpu.vector_store %arg4[%swap3A, %swap3A_28], %sub3A_27 {strides = array<i32>} : memref<10000x16xf32, #tpu.memory_space<vmem>>, vector<10000x16xf32>,
    return
  }
}

</mosaic_0001>

<sc_bundles>
// kernel: kernel.10.cloned.1.call-start
scs
__scs_entry_jumppad:
0x0: {  	(pc) =	sbr.rel $0x88, $3  }
0x1: {  	(tag) =	ssettag $0x0;
	lr =	simm.s32 $0x1  }
0x2: {  	[smem:$0x3F95] =	sst lr;
	_ =	strace $0xD0000000  }
0x3: {  	_ = 	snop  }
0x4: {  	_ = 	snop  }
0x5: {  	_ = 	snop  }
0x6: {  	_ = 	snop  }
0x7: {  	_ = 	snop  }
__scs_overlays_trampoline_lowered:
0x8: {  	[smem:$0x3FA4] =	sst s0  }
0x9: {  	[smem:$0x3FA5] =	sst s1  }
0xa: {  	[smem:$0x3FA6] =	sst s2  }
0xb: {  	[smem:$0x3FA7] =	sst s3  }
0xc: {  	[smem:$0x3FA8] =	sst s4  }
0xd: {  	[smem:$0x3FA9] =	sst s5  }
0xe: {  	[smem:$0x3FAA] =	sst s6  }
0xf: {  	[smem:$0x3FAB] =	sst s7  }
0x10: {  	[smem:$0x3FAC] =	sst s8  }
0x11: {  	[smem:$0x3FAD] =	sst s9;
	s0 =	simm.s32 @!p0 $0x0  }
0x12: {  	s1 =	sld [smem:$0x3F93];
	s0 =	simm.s32 @p0 $0x1  }
0x13: {  	[smem:$0x3FAE] =	sst s0;
	s0 =	simm.s32 @!p1 $0x0  }
0x14: {  	s2 =	sld [smem:$0x3F92];
	s0 =	simm.s32 @p1 $0x1  }
0x15: {  	[smem:$0x3FAF] =	sst s0;
	s0 =	simm.s32 @!p2 $0x0  }
0x16: {  	s3 =	sld [smem:$0x3FDB];
	s0 =	simm.s32 @p2 $0x1  }
0x17: {  	s4 =	simm.s32 $0x1BF5;
	[smem:$0x3FB1] =	sst s0  }
0x18: {  	s0 =	sld [smem:$0x3F94];
	_ =	swait.ge [sflag:s4], $0x0  }
0x19: {  	s7 =	sld [smem:$0x3F95]  }
0x1a: {  	s8 =	sadd.s32 $0xFFFFE003, lr  }
0x1b: {  	s9 =	sadd.s32 $0xFFFFFEF7, lr;
	s5 =	simm.s32 $0xFFFFFFFF;
	p2 =	slt.u32 s8, $0xFFFFF086  }
0x1c: {  	p1 =	slt.u32 s9, $0xF7A;
	s5 =	simm.s32 @!p2 $0x0  }
0x1d: {  	s5 =	simm.s32 @p1 $0x1;
	p0 =	seq.s32 s7, s2  }
0x1e: {  	s7 =	smul.u32 @!p0 $0xF7A, s2;
	p2 =	seq.s32 @!p0 s5, $0x0  }
0x1f: {  	s9 =	smul.u32 $0xF7A, s1;
	s8 =	simm.s32 @!p0 $0x1BF5;
	p2 =	por !p2, p0  }
0x20: {  	[sflag:s8] =	ssyncset.s32 @!p0 $0xFFFFF086;
	s6 =	sadd.s32 @!p0 s3, s7;
	s7 =	simm.s32 @!p0 $0x108  }
0x21: {  	s3 =	sadd.s32 s3, s9;
	s6 =	sadd.s32 @!p0 $0x88, s6;
	s7 =	simm.s32 @p2 $0x1082  }
0x22: {  	[simem:s7], [sflag:s8] =	dma.local @!p0 [hbm:s6], $0xF7A  }
0x23: {  	s9 =	sor.u32 $0xD0000000, s2;
	s6 =	simm.s32 $0x108;
	_ =	swait.ge @!p0 [sflag:s8], $0x0  }
0x24: {  	s3 =	sadd.s32 $0x88, s3;
	s6 =	simm.s32 @!p1 $0x1082;
	[sflag:s4] =	ssyncset.s32 $0xFFFFF086  }
0x25: {  	[simem:s6], [sflag:s4] =	dma.local [hbm:s3], $0xF7A  }
0x26: {  	[smem:$0x3F95] =	sst s1;
	(tag) =	ssettag s2;
	_ =	strace s9  }
0x27: {  	s1 =	sld [smem:$0x3FA5]  }
0x28: {  	s2 =	sld [smem:$0x3FA6]  }
0x29: {  	s4 =	sld [smem:$0x3FA8]  }
0x2a: {  	p0 =	seq.s32 s5, $0x0;
	s5 =	sld [smem:$0x3FA9]  }
0x2b: {  	s6 =	sld [smem:$0x3FAA]  }
0x2c: {  	s7 =	sld [smem:$0x3FAB]  }
0x2d: {  	s3 =	simm.s32 $0x108;
	s8 =	sld [smem:$0x3FAC]  }
0x2e: {  	s3 =	simm.s32 @!p0 $0x1082;
	s9 =	sld [smem:$0x3FAD]  }
0x2f: {  	lr =	sadd.s32 s0, s3;
	s0 =	sld [smem:$0x3FA4]  }
0x30: {  	s3 =	sld [smem:$0x3FA7]  }
0x31: {  	[smem:$0x3FB0] =	sst s10  }
0x32: {  	s10 =	sld [smem:$0x3FAE];
	_ =	sdelay $0x3  }
0x33: {  	p0 =	seq.s32 s10, $0x1;
	s10 =	sld [smem:$0x3FB0];
	_ =	sdelay $0x3  }
0x34: {  	[smem:$0x3FB0] =	sst s10  }
0x35: {  	s10 =	sld [smem:$0x3FAF];
	_ =	sdelay $0x3  }
0x36: {  	p1 =	seq.s32 s10, $0x1;
	s10 =	sld [smem:$0x3FB0];
	_ =	sdelay $0x3  }
0x37: {  	[smem:$0x3FB0] =	sst s10  }
0x38: {  	s10 =	sld [smem:$0x3FB1]  }
0x39: {  	_ = 	snop;
	(pc) =	sbr.ind lr, $3  }
0x3a: {  	_ = 	snop  }
0x3b: {  	_ = 	snop  }
0x3c: {  	p2 =	seq.s32 s10, $0x1;
	s10 =	sld [smem:$0x3FB0]  }
0x3d: {  	_ =	shalt  }
0x3e: {  	_ =	shalt  }
0x3f: {  	_ =	shalt  }
0x40: {  	_ =	shalt  }
0x41: {  	_ =	shalt  }
0x42: {  	_ =	shalt  }
0x43: {  	_ =	shalt  }
0x44: {  	_ =	shalt  }
0x45: {  	_ =	shalt  }
0x46: {  	_ =	shalt  }
0x47: {  	_ =	shalt  }
0x48: {  	_ =	shalt  }
0x49: {  	_ =	shalt  }
0x4a: {  	_ =	shalt  }
0x4b: {  	_ =	shalt  }
0x4c: {  	_ =	shalt  }
0x4d: {  	_ =	shalt  }
0x4e: {  	_ =	shalt  }
0x4f: {  	_ =	shalt  }
0x50: {  	_ =	shalt  }
0x51: {  	_ =	shalt  }
0x52: {  	_ =	shalt  }
0x53: {  	_ =	shalt  }
0x54: {  	_ =	shalt  }
0x55: {  	_ =	shalt  }
0x56: {  	_ =	shalt  }
0x57: {  	_ =	shalt  }
0x58: {  	_ =	shalt  }
0x59: {  	_ =	shalt  }
0x5a: {  	_ =	shalt  }
0x5b: {  	_ =	shalt  }
0x5c: {  	_ =	shalt  }
0x5d: {  	_ =	shalt  }
0x5e: {  	_ =	shalt  }
0x5f: {  	_ =	shalt  }
0x60: {  	_ =	shalt  }
0x61: {  	_ =	shalt  }
0x62: {  	_ =	shalt  }
0x63: {  	_ =	shalt  }
0x64: {  	_ =	shalt  }
0x65: {  	_ =	shalt  }
0x66: {  	_ =	shalt  }
0x67: {  	_ =	shalt  }
0x68: {  	_ =	shalt  }
0x69: {  	_ =	shalt  }
0x6a: {  	_ =	shalt  }
0x6b: {  	_ =	shalt  }
0x6c: {  	_ =	shalt  }
0x6d: {  	_ =	shalt  }
0x6e: {  	_ =	shalt  }
0x6f: {  	_ =	shalt  }
0x70: {  	_ =	shalt  }
0x71: {  	_ =	shalt  }
0x72: {  	_ =	shalt  }
0x73: {  	_ =	shalt  }
0x74: {  	_ =	shalt  }
0x75: {  	_ =	shalt  }
0x76: {  	_ =	shalt  }
0x77: {  	_ =	shalt  }
0x78: {  	_ =	shalt  }
0x79: {  	_ =	shalt  }
0x7a: {  	_ =	shalt  }
0x7b: {  	_ =	shalt  }
0x7c: {  	_ =	shalt  }
0x7d: {  	_ =	shalt  }
0x7e: {  	_ =	shalt  }
0x7f: {  	_ =	shalt  }
0x80: {  	_ =	shalt  }
0x81: {  	_ =	shalt  }
0x82: {  	_ =	shalt  }
0x83: {  	_ =	shalt  }
0x84: {  	_ =	shalt  }
0x85: {  	_ =	shalt  }
0x86: {  	_ =	shalt  }
0x87: {  	_ =	shalt  }
.Lfunc_end0:
.L_simem_size_0:
called_computation_lowered:
.L_overlay_start_0:
0x88: {  	s2 =	sld [smem:$0x3FD9]  }
0x89: {  	s3 =	sld [smem:$0x3FFE];
	_ =	sdelay $0x1  }
0x8a: {  	s1 =	srdreg.scid  }
0x8b: {  	s0 =	sand.u32 $0x1, s1  }
0x8c: {  	s17 =	sshll.u32 s0, $0xA;
	s2 =	sadd.s32 s3, s2  }
0x8d: {  	s2 =	sadd.s32 s2, s17  }
0x8e: {  	[smem:$0x3FBC] =	sst s2  }
0x8f: {  	_ = 	snop  }
0x90: {  	s2 =	sld [smem:$0x3FD0];
	(tm) =	ssettm $0x1  }
0x91: {  	s18 =	sld [smem:$0x3FFB];
	_ =	sdelay $0x3  }
0x92: {  	_ =	strace s18  }
0x93: {  	s3 =	sld [smem:$0x3FFC];
	_ =	sdelay $0x3  }
0x94: {  	_ =	strace s3  }
0x95: {  	s3 =	sld [smem:$0x3FFD];
	_ =	sdelay $0x3  }
0x96: {  	_ =	strace s3  }
0x97: {  	_ =	strace $0x8FFFFFFF  }
0x98: {  	s19 =	sld [smem:$0x3FDB];
	_ =	sdelay $0x1  }
0x99: {  	s4 =	simm.s32 $_scs_section_size  }
0x9a: {  	s5 =	simm.s32 $_size__tile_overlayer_lowered;
	s6 =	simm.s32 $_tile_overlayer_lowered  }
0x9b: {  	s22 =	simm.s32 $0x1BFF;
	s21 =	sshll.u32 s6, $0x1;
	s3 =	sadd.s32 s4, s19  }
0x9c: {  	s7 =	simm.s32 $0x0;
	s20 =	sshll.u32 s5, $0x1;
	s5 =	sadd.s32 s21, s3  }
0x9d: {  	[timem:s7], [sflag:s22] =	dma.local [hbm:s5], s20  }
0x9e: {  	_ =	swait.ge [sflag:s22], s20  }
0x9f: {  	s4 =	ssub.s32 $0x0, s20;
	[sflag:s22] =	ssyncset.done $0x0  }
0xa0: {  	[sflag:s22] =	ssyncadd.s32 s4;
	_ =	sdelay $0x1  }
0xa1: {  	s23 =	simm.s32 $0x1B8B  }
0xa2: {  	_ =	swait.ge [sflag:s23], $0x1  }
0xa3: {  	[sflag:s23] =	ssyncset.done $0x0  }
0xa4: {  	s25 =	simm.s32 $0x1B8E;
	s24 =	sld [smem:$0x3FFE];
	[sflag:s23] =	ssyncadd.s32 $0xFFFFFFFF  }
0xa5: {  	s26 =	simm.s32 $execute0_lowered;
	[smem:$0x3FD2] =	sst s25  }
0xa6: {  	s5 =	sshll.u32 s26, $0x1;
	_ =	strace $0x80000046;
	[dreg:$0x1] =	wrdreg $0xFFFFFFFF  }
0xa7: {  	s28 =	simm.s32 $_size_execute0_lowered;
	s3 =	sadd.s32 s3, s5;
	[dreg:$0x0] =	wrdreg $0x0  }
0xa8: {  	s5 =	sshll.u32 s28, $0x1;
	[dreg:$0x2] =	wrdreg s3  }
0xa9: {  	[dreg:$0x3] =	wrdreg s5  }
0xaa: {  	[dreg:$0x4] =	wrdreg $0xC0  }
0xab: {  	_ =	task [dreg:s7], $0x5FFFF  }
0xac: {  	[dreg:$0x1] =	wrdreg $0xFFFFFFFF  }
0xad: {  	[dreg:$0x0] =	wrdreg $0x60  }
0xae: {  	[dreg:$0x2] =	wrdreg s24  }
0xaf: {  	[dreg:$0x3] =	wrdreg s2  }
0xb0: {  	[dreg:$0x4] =	wrdreg $0x0  }
0xb1: {  	[dreg:$0x5] =	wrdreg $0x9  }
0xb2: {  	_ =	task.clear_ibuf [dreg:s7], $0x6FFFF;
	_ =	strace $0x90000046  }
0xb3: {  	s29 =	simm.s32 $0x9;
	_ =	strace $0x80000048  }
0xb4: {  	_ =	swait.ge [sflag:s29], $0x1  }
0xb5: {  	[sflag:s29] =	ssyncadd.s32 $0xFFFFFFFF  }
0xb6: {  	_ =	strace $0x90000048  }
0xb7: {  	_ =	sfence  }
0xb8: {  	s30 =	sld [smem:$0x0];
	_ =	sdelay $0x2  }
0xb9: {  	s31 =	sshll.u32 s1, $0xD;
	s1 =	sshrl.u32 s1, $0x2  }
0xba: {  	s3 =	sand.u32 $0x4000, s31;
	s1 =	sadd.s32 s1, s30  }
0xbb: {  	s0 =	sor.u32 s3, s0;
	s1 =	sshll.u32 s1, $0x11  }
0xbc: {  	s0 =	sor.u32 s1, s0  }
0xbd: {  	s0 =	sadd.s32 $0x8F2B, s0  }
0xbe: {  	[sflag:s0] =	ssyncadd.remote.s32 $0x1  }
0xbf: {  	_ =	sfence.sel $0xFFFF  }
0xc0: {  	[dreg:$0x0] =	wrdreg $0xFFFFFFFF;
	(pc) =	sbr.abs _section_cstart, $3  }
0xc1: {  	[dreg:$0x1] =	wrdreg $0xFFFFFFFF  }
0xc2: {  	_ =	task.clear_ibuf [dreg:s7], $0x2FFFF;
	_ =	strace $0x9FFFFFFF  }
0xc3: {  	(tm) =	ssettm $0x7FFFFFFF  }
tec
execute0_lowered:
.L_overlay_start_1:
0x0: {  	(tag) =	ssettag $0x1  }
0x1: {  	s5 =	rddreg [dreg:$0x0]  }
0x2: {  	s0 =	srdreg.scid;
	s7 =	rddreg [dreg:$0x1]  }
0x3: {  	s2 =	rddreg [dreg:$0x2];
	s3 =	simm.s32 $0x0;
	s13 =	simm.s32 $0x13C0  }
0x4: {  	s14 =	simm.s32 $0xFA;
	s6 =	sand.u32 $0x1, s0;
	s0 =	stileid.u32  }
0x5: {  	s15 =	simm.s32 $0x1;
	s16 =	simm.s32 $0x0;
	s8 =	smul.u32 $0x13C0, s0  }
0x6: {  	[smem:$0x7FF] =	sst s3;
	s1 =	sshll.u32 s6, $0x4;
	s9 =	smul.u32 $0x13C00, s6  }
0x7: {  	s6 =	ssub.s32 $0x2, s6;
	s31 =	sshll.u32 s0, $0x6;
	s4 =	sor.u32 s0, s1  }
0x8: {  	s1 =	rddreg [dreg:$0x3];
	_ =	strace $0x80000047;
	s11 =	sshrl.u32 s6, $0x1  }
0x9: {  	s4 =	smul.u32 $0xA00, s4;
	s9 =	sadd.s32 s8, s9;
	s11 =	ssub.s32 s6, s11  }
0xa: {  	s12 =	sadd.s32 s8, s2;
	s30 =	sshrl.u32 s9, $0x3;
	s8 =	smax.u32 s11, $0x1  }
0xb: {  	s9 =	simm.s32 $0x63C0;
	s11 =	sor.u32 $0x1C02, s31;
	s12 =	sshrl.u32 s12, $0x3  }
0xc: {  	s10 =	sadd.s32 s4, s5;
	s4 =	sadd.s32 $0x16600, s5;
	s5 =	sadd.s32 $0x16800, s5  }
0xd: {  	s7 =	sadd.s32 s7, s30;
	s6 =	sadd.s32 $0x2600, s10;
	s10 =	simm.s32 $0x2  }
.LBB2_1:
0xe: {  	[tilespmem:s9], [sflag:$0x2] =	stream.linear.gather [hbm4b:s4+s3], $0x7D0, $0x38;
	[tilespmem:$0x6B90] =	vst v63  }
0xf: {  	_ =	swait.ge [sflag:s10], $0x7D0  }
0x10: {  	[sflag:s10] =	ssyncset.done $0x0  }
0x11: {  	[sflag:s10] =	ssyncadd.s32 $0xFFFFF830  }
0x12: {  	[spmem:s12], [sflag:s11] =	dma.local [hbm:s5], $0x278  }
0x13: {  	_ =	swait.ge [sflag:s10], $0x278  }
0x14: {  	[sflag:s10] =	ssyncset.done $0x0  }
0x15: {  	[sflag:s10] =	ssyncadd.s32 $0xFFFFFD88  }
0x16: {  	[bflag:$0x0] =	sbarrier.arrive $0xFFFF  }
0x17: {  	[tilespmem:s13], [sflag:$0x2] =	stream.linear.gather [hbm4b:s6+s3], $0x5000, $0x38;
	[tilespmem:$0x6B90] =	vst v63  }
0x18: {  	_ =	swait.ge [sflag:s10], $0x5000  }
0x19: {  	[sflag:s10] =	ssyncset.done $0x0  }
0x1a: {  	s17 =	simm.s32 $0x13C0;
	[sflag:s10] =	ssyncadd.s32 $0xFFFFB000  }
0x1b: {  	[spmem:s2] =	stream.indirect.scatter.add.f32 [tilespmem:s9], [sflag:$0x1], $0x8, s17, s14, $0xb8;
	[tilespmem:$0x6B90] =	vst v63  }
0x1c: {  	s29 =	simm.s32 $0x14C0  }
0x1d: {  	[spmem:s2] =	stream.indirect.scatter.add.f32 [tilespmem:s9], [sflag:$0x1], $0x8, s29, s14, $0xb8;
	[tilespmem:$0x6B90] =	vst v63  }
0x1e: {  	s30 =	simm.s32 $0x15C0  }
0x1f: {  	[spmem:s2] =	stream.indirect.scatter.add.f32 [tilespmem:s9], [sflag:$0x1], $0x8, s30, s14, $0xb8;
	[tilespmem:$0x6B90] =	vst v63  }
0x20: {  	s31 =	simm.s32 $0x16C0  }
0x21: {  	[spmem:s2] =	stream.indirect.scatter.add.f32 [tilespmem:s9], [sflag:$0x1], $0x8, s31, s14, $0xb8;
	[tilespmem:$0x6B90] =	vst v63  }
0x22: {  	_ =	swait.ge [sflag:s15], $0x7D0  }
0x23: {  	[sflag:s15] =	ssyncset.done $0x0  }
0x24: {  	[sflag:s15] =	ssyncadd.s32 $0xFFFFF830  }
0x25: {  	_ =	swait.ge [sflag:s15], $0x7D0  }
0x26: {  	[sflag:s15] =	ssyncset.done $0x0  }
0x27: {  	[sflag:s15] =	ssyncadd.s32 $0xFFFFF830  }
0x28: {  	_ =	swait.ge [sflag:s15], $0x7D0  }
0x29: {  	[sflag:s15] =	ssyncset.done $0x0  }
0x2a: {  	[sflag:s15] =	ssyncadd.s32 $0xFFFFF830  }
0x2b: {  	_ =	swait.ge [sflag:s15], $0x7D0  }
0x2c: {  	s18 =	simm.s32 $0x2000;
	s17 =	simm.s32 $0x400;
	[sflag:s15] =	ssyncset.done $0x0  }
.LBB2_2:
0x2d: {  	s19 =	sadd.s32 $0x13C0, s17  }
0x2e: {  	[sflag:s15] =	ssyncadd.s32 $0xFFFFF830;
	s20 =	smov.u32 s18;
	s21 =	sadd.s32 $0x1000, s18  }
0x2f: {  	[spmem:s2] =	stream.indirect.scatter.add.f32 [tilespmem:s9], [sflag:$0x1], $0x8, s19, s14, $0xb8;
	[tilespmem:$0x6B90] =	vst v63  }
0x30: {  	p0 =	sne.s32 s18, $0x13000;
	s18 =	sadd.s32 $0x14C0, s17  }
0x31: {  	[spmem:s2] =	stream.indirect.scatter.add.f32 [tilespmem:s9], [sflag:$0x1], $0x8, s18, s14, $0xb8;
	[tilespmem:$0x6B90] =	vst v63  }
0x32: {  	s18 =	sadd.s32 $0x15C0, s17  }
0x33: {  	[spmem:s2] =	stream.indirect.scatter.add.f32 [tilespmem:s9], [sflag:$0x1], $0x8, s18, s14, $0xb8;
	[tilespmem:$0x6B90] =	vst v63  }
0x34: {  	s17 =	sadd.s32 $0x16C0, s17  }
0x35: {  	[spmem:s2] =	stream.indirect.scatter.add.f32 [tilespmem:s9], [sflag:$0x1], $0x8, s17, s14, $0xb8;
	[tilespmem:$0x6B90] =	vst v63  }
0x36: {  	_ =	swait.ge [sflag:s15], $0x7D0  }
0x37: {  	[sflag:s15] =	ssyncset.done $0x0  }
0x38: {  	[sflag:s15] =	ssyncadd.s32 $0xFFFFF830  }
0x39: {  	_ =	swait.ge [sflag:s15], $0x7D0  }
0x3a: {  	[sflag:s15] =	ssyncset.done $0x0  }
0x3b: {  	[sflag:s15] =	ssyncadd.s32 $0xFFFFF830  }
.Ltmp0:
0x3c: {  	_ =	swait.ge [sflag:s15], $0x7D0;
	(pc) =	sbr.rel @p0 .LBB2_2-.Ltmp0, $4  }
0x3d: {  	[sflag:s15] =	ssyncset.done $0x0  }
0x3e: {  	[sflag:s15] =	ssyncadd.s32 $0xFFFFF830  }
0x3f: {  	_ =	swait.ge [sflag:s15], $0x7D0  }
0x40: {  	s18 =	smov.u32 s21;
	s17 =	sshra.s32 s20, $0x2;
	[sflag:s15] =	ssyncset.done $0x0  }
0x41: {  	s18 =	sadd.s32 $0x13C0, s17;
	[sflag:s15] =	ssyncadd.s32 $0xFFFFF830  }
0x42: {  	[spmem:s2] =	stream.indirect.scatter.add.f32 [tilespmem:s9], [sflag:$0x1], $0x8, s18, s14, $0xb8;
	[tilespmem:$0x6B90] =	vst v63  }
0x43: {  	s29 =	sadd.s32 $0x14C0, s17  }
0x44: {  	[spmem:s2] =	stream.indirect.scatter.add.f32 [tilespmem:s9], [sflag:$0x1], $0x8, s29, s14, $0xb8;
	[tilespmem:$0x6B90] =	vst v63  }
0x45: {  	s30 =	sadd.s32 $0x15C0, s17  }
0x46: {  	[spmem:s2] =	stream.indirect.scatter.add.f32 [tilespmem:s9], [sflag:$0x1], $0x8, s30, s14, $0xb8;
	[tilespmem:$0x6B90] =	vst v63  }
0x47: {  	s31 =	sadd.s32 $0x16C0, s17  }
0x48: {  	[spmem:s2] =	stream.indirect.scatter.add.f32 [tilespmem:s9], [sflag:$0x1], $0x8, s31, s14, $0xb8;
	[tilespmem:$0x6B90] =	vst v63  }
0x49: {  	_ =	swait.ge [sflag:s15], $0x7D0  }
0x4a: {  	[sflag:s15] =	ssyncset.done $0x0  }
0x4b: {  	[sflag:s15] =	ssyncadd.s32 $0xFFFFF830  }
0x4c: {  	_ =	swait.ge [sflag:s15], $0x7D0  }
0x4d: {  	[sflag:s15] =	ssyncset.done $0x0  }
0x4e: {  	[sflag:s15] =	ssyncadd.s32 $0xFFFFF830  }
0x4f: {  	_ =	swait.ge [sflag:s15], $0x7D0  }
0x50: {  	[sflag:s15] =	ssyncset.done $0x0  }
0x51: {  	[sflag:s15] =	ssyncadd.s32 $0xFFFFF830  }
0x52: {  	_ =	swait.ge [sflag:s15], $0x7D0  }
0x53: {  	s16 =	sadd.s32 $0x1, s16;
	[sflag:s15] =	ssyncset.done $0x0  }
0x54: {  	p0 =	sne.s32 s16, s8;
	[sflag:s15] =	ssyncadd.s32 $0xFFFFF830  }
.Ltmp1:
0x55: {  	[bflag:$0x0] =	sbarrier.arrive $0xFFFF;
	(pc) =	sbr.rel @p0 .LBB2_1-.Ltmp1, $4  }
0x56: {  	[hbm:s7], [sflag:s11] =	dma.local [spmem:s12], $0x278  }
0x57: {  	_ =	swait.ge [sflag:s10], $0x278  }
0x58: {  	[sflag:s10] =	ssyncset.done $0x0  }
0x59: {  	[sflag:s10] =	ssyncadd.s32 $0xFFFFFD88  }
0x5a: {  	_ =	sfence.sel $0x180000  }
0x5b: {  	[bflag:$0x0] =	sbarrier.arrive $0xFFFF  }
0x5c: {  	p0 =	sne.s32 s0, $0x0;
	_ =	strace $0x90000047  }
0x5d: {  	s0 =	sadd.s32 @!p0 $0x100000, s1;
	[bflag:$0x2] =	sbarrier.arrive $0xFFFF  }
0x5e: {  	[sflag:s0] =	ssyncadd.tile.s32 @!p0 $0x1;
	_ =	shalt  }
.Lfunc_end2:
_tile_overlayer_lowered:
.L_overlay_start_2:
0x5f: {  	(tag) =	ssettag $0x2  }
0x60: {  	s0 =	rddreg [dreg:$0x0];
	s2 =	stileid.u32  }
0x61: {  	s1 =	rddreg [dreg:$0x1];
	p0 =	sne.s32 s2, $0x0  }
0x62: {  	s3 =	rddreg [dreg:$0x2];
	[bflag:$0x3] =	sbarrier.arrive $0xFFFF;
	s2 =	simm.s32 @!p0 $0x1C02  }
0x63: {  	[timem:s3], [sflag:s2] =	dma.local @!p0 [hbm:s0], s1  }
0x64: {  	s0 =	simm.s32 @!p0 $0x2  }
0x65: {  	_ =	swait.ge @!p0 [sflag:s0], s1  }
0x66: {  	s1 =	ssub.s32 @!p0 $0x0, s1;
	[sflag:s0] =	ssyncset.done @!p0 $0x0  }
0x67: {  	[sflag:s0] =	ssyncadd.s32 @!p0 s1  }
0x68: {  	[bflag:$0x3] =	sbarrier.arrive $0xFFFF  }
0x69: {  	_ =	shalt  }

// kernel: kernel.13.cloned.1.call-start
scs
__scs_entry_jumppad:
0x0: {  	(pc) =	sbr.rel $0x88, $3  }
0x1: {  	(tag) =	ssettag $0x0;
	lr =	simm.s32 $0x1  }
0x2: {  	[smem:$0x3F95] =	sst lr;
	_ =	strace $0xD0000000  }
0x3: {  	_ = 	snop  }
0x4: {  	_ = 	snop  }
0x5: {  	_ = 	snop  }
0x6: {  	_ = 	snop  }
0x7: {  	_ = 	snop  }
__scs_overlays_trampoline_lowered:
0x8: {  	[smem:$0x3FA4] =	sst s0  }
0x9: {  	[smem:$0x3FA5] =	sst s1  }
0xa: {  	[smem:$0x3FA6] =	sst s2  }
0xb: {  	[smem:$0x3FA7] =	sst s3  }
0xc: {  	[smem:$0x3FA8] =	sst s4  }
0xd: {  	[smem:$0x3FA9] =	sst s5  }
0xe: {  	[smem:$0x3FAA] =	sst s6  }
0xf: {  	[smem:$0x3FAB] =	sst s7  }
0x10: {  	[smem:$0x3FAC] =	sst s8  }
0x11: {  	[smem:$0x3FAD] =	sst s9;
	s0 =	simm.s32 @!p0 $0x0  }
0x12: {  	s1 =	sld [smem:$0x3F93];
	s0 =	simm.s32 @p0 $0x1  }
0x13: {  	[smem:$0x3FAE] =	sst s0;
	s0 =	simm.s32 @!p1 $0x0  }
0x14: {  	s2 =	sld [smem:$0x3F92];
	s0 =	simm.s32 @p1 $0x1  }
0x15: {  	[smem:$0x3FAF] =	sst s0;
	s0 =	simm.s32 @!p2 $0x0  }
0x16: {  	s3 =	sld [smem:$0x3FDB];
	s0 =	simm.s32 @p2 $0x1  }
0x17: {  	s4 =	simm.s32 $0x1BF5;
	[smem:$0x3FB1] =	sst s0  }
0x18: {  	s0 =	sld [smem:$0x3F94];
	_ =	swait.ge [sflag:s4], $0x0  }
0x19: {  	s7 =	sld [smem:$0x3F95]  }
0x1a: {  	s8 =	sadd.s32 $0xFFFFE003, lr  }
0x1b: {  	s9 =	sadd.s32 $0xFFFFFEF7, lr;
	s5 =	simm.s32 $0xFFFFFFFF;
	p2 =	slt.u32 s8, $0xFFFFF086  }
0x1c: {  	p1 =	slt.u32 s9, $0xF7A;
	s5 =	simm.s32 @!p2 $0x0  }
0x1d: {  	s5 =	simm.s32 @p1 $0x1;
	p0 =	seq.s32 s7, s2  }
0x1e: {  	s7 =	smul.u32 @!p0 $0xF7A, s2;
	p2 =	seq.s32 @!p0 s5, $0x0  }
0x1f: {  	s9 =	smul.u32 $0xF7A, s1;
	s8 =	simm.s32 @!p0 $0x1BF5;
	p2 =	por !p2, p0  }
0x20: {  	[sflag:s8] =	ssyncset.s32 @!p0 $0xFFFFF086;
	s6 =	sadd.s32 @!p0 s3, s7;
	s7 =	simm.s32 @!p0 $0x108  }
0x21: {  	s3 =	sadd.s32 s3, s9;
	s6 =	sadd.s32 @!p0 $0x88, s6;
	s7 =	simm.s32 @p2 $0x1082  }
0x22: {  	[simem:s7], [sflag:s8] =	dma.local @!p0 [hbm:s6], $0xF7A  }
0x23: {  	s9 =	sor.u32 $0xD0000000, s2;
	s6 =	simm.s32 $0x108;
	_ =	swait.ge @!p0 [sflag:s8], $0x0  }
0x24: {  	s3 =	sadd.s32 $0x88, s3;
	s6 =	simm.s32 @!p1 $0x1082;
	[sflag:s4] =	ssyncset.s32 $0xFFFFF086  }
0x25: {  	[simem:s6], [sflag:s4] =	dma.local [hbm:s3], $0xF7A  }
0x26: {  	[smem:$0x3F95] =	sst s1;
	(tag) =	ssettag s2;
	_ =	strace s9  }
0x27: {  	s1 =	sld [smem:$0x3FA5]  }
0x28: {  	s2 =	sld [smem:$0x3FA6]  }
0x29: {  	s4 =	sld [smem:$0x3FA8]  }
0x2a: {  	p0 =	seq.s32 s5, $0x0;
	s5 =	sld [smem:$0x3FA9]  }
0x2b: {  	s6 =	sld [smem:$0x3FAA]  }
0x2c: {  	s7 =	sld [smem:$0x3FAB]  }
0x2d: {  	s3 =	simm.s32 $0x108;
	s8 =	sld [smem:$0x3FAC]  }
0x2e: {  	s3 =	simm.s32 @!p0 $0x1082;
	s9 =	sld [smem:$0x3FAD]  }
0x2f: {  	lr =	sadd.s32 s0, s3;
	s0 =	sld [smem:$0x3FA4]  }
0x30: {  	s3 =	sld [smem:$0x3FA7]  }
0x31: {  	[smem:$0x3FB0] =	sst s10  }
0x32: {  	s10 =	sld [smem:$0x3FAE];
	_ =	sdelay $0x3  }
0x33: {  	p0 =	seq.s32 s10, $0x1;
	s10 =	sld [smem:$0x3FB0];
	_ =	sdelay $0x3  }
0x34: {  	[smem:$0x3FB0] =	sst s10  }
0x35: {  	s10 =	sld [smem:$0x3FAF];
	_ =	sdelay $0x3  }
0x36: {  	p1 =	seq.s32 s10, $0x1;
	s10 =	sld [smem:$0x3FB0];
	_ =	sdelay $0x3  }
0x37: {  	[smem:$0x3FB0] =	sst s10  }
0x38: {  	s10 =	sld [smem:$0x3FB1]  }
0x39: {  	_ = 	snop;
	(pc) =	sbr.ind lr, $3  }
0x3a: {  	_ = 	snop  }
0x3b: {  	_ = 	snop  }
0x3c: {  	p2 =	seq.s32 s10, $0x1;
	s10 =	sld [smem:$0x3FB0]  }
0x3d: {  	_ =	shalt  }
0x3e: {  	_ =	shalt  }
0x3f: {  	_ =	shalt  }
0x40: {  	_ =	shalt  }
0x41: {  	_ =	shalt  }
0x42: {  	_ =	shalt  }
0x43: {  	_ =	shalt  }
0x44: {  	_ =	shalt  }
0x45: {  	_ =	shalt  }
0x46: {  	_ =	shalt  }
0x47: {  	_ =	shalt  }
0x48: {  	_ =	shalt  }
0x49: {  	_ =	shalt  }
0x4a: {  	_ =	shalt  }
0x4b: {  	_ =	shalt  }
0x4c: {  	_ =	shalt  }
0x4d: {  	_ =	shalt  }
0x4e: {  	_ =	shalt  }
0x4f: {  	_ =	shalt  }
0x50: {  	_ =	shalt  }
0x51: {  	_ =	shalt  }
0x52: {  	_ =	shalt  }
0x53: {  	_ =	shalt  }
0x54: {  	_ =	shalt  }
0x55: {  	_ =	shalt  }
0x56: {  	_ =	shalt  }
0x57: {  	_ =	shalt  }
0x58: {  	_ =	shalt  }
0x59: {  	_ =	shalt  }
0x5a: {  	_ =	shalt  }
0x5b: {  	_ =	shalt  }
0x5c: {  	_ =	shalt  }
0x5d: {  	_ =	shalt  }
0x5e: {  	_ =	shalt  }
0x5f: {  	_ =	shalt  }
0x60: {  	_ =	shalt  }
0x61: {  	_ =	shalt  }
0x62: {  	_ =	shalt  }
0x63: {  	_ =	shalt  }
0x64: {  	_ =	shalt  }
0x65: {  	_ =	shalt  }
0x66: {  	_ =	shalt  }
0x67: {  	_ =	shalt  }
0x68: {  	_ =	shalt  }
0x69: {  	_ =	shalt  }
0x6a: {  	_ =	shalt  }
0x6b: {  	_ =	shalt  }
0x6c: {  	_ =	shalt  }
0x6d: {  	_ =	shalt  }
0x6e: {  	_ =	shalt  }
0x6f: {  	_ =	shalt  }
0x70: {  	_ =	shalt  }
0x71: {  	_ =	shalt  }
0x72: {  	_ =	shalt  }
0x73: {  	_ =	shalt  }
0x74: {  	_ =	shalt  }
0x75: {  	_ =	shalt  }
0x76: {  	_ =	shalt  }
0x77: {  	_ =	shalt  }
0x78: {  	_ =	shalt  }
0x79: {  	_ =	shalt  }
0x7a: {  	_ =	shalt  }
0x7b: {  	_ =	shalt  }
0x7c: {  	_ =	shalt  }
0x7d: {  	_ =	shalt  }
0x7e: {  	_ =	shalt  }
0x7f: {  	_ =	shalt  }
0x80: {  	_ =	shalt  }
0x81: {  	_ =	shalt  }
0x82: {  	_ =	shalt  }
0x83: {  	_ =	shalt  }
0x84: {  	_ =	shalt  }
0x85: {  	_ =	shalt  }
0x86: {  	_ =	shalt  }
0x87: {  	_ =	shalt  }
.Lfunc_end0:
.L_simem_size_0:
called_computation.1_lowered:
.L_overlay_start_0:
0x88: {  	s2 =	sld [smem:$0x3FD9]  }
0x89: {  	s3 =	sld [smem:$0x3FFE];
	_ =	sdelay $0x1  }
0x8a: {  	s1 =	srdreg.scid  }
0x8b: {  	s0 =	sand.u32 $0x1, s1  }
0x8c: {  	s17 =	sshll.u32 s0, $0xA;
	s2 =	sadd.s32 s3, s2  }
0x8d: {  	s2 =	sadd.s32 s2, s17  }
0x8e: {  	[smem:$0x3FBC] =	sst s2  }
0x8f: {  	_ = 	snop  }
0x90: {  	s2 =	sld [smem:$0x3FD0];
	(tm) =	ssettm $0x1  }
0x91: {  	s18 =	sld [smem:$0x3FFB];
	_ =	sdelay $0x3  }
0x92: {  	_ =	strace s18  }
0x93: {  	s3 =	sld [smem:$0x3FFC];
	_ =	sdelay $0x3  }
0x94: {  	_ =	strace s3  }
0x95: {  	s3 =	sld [smem:$0x3FFD];
	_ =	sdelay $0x3  }
0x96: {  	_ =	strace s3  }
0x97: {  	_ =	strace $0x8FFFFFFF  }
0x98: {  	s19 =	sld [smem:$0x3FDB];
	_ =	sdelay $0x1  }
0x99: {  	s4 =	simm.s32 $_scs_section_size  }
0x9a: {  	s5 =	simm.s32 $_size__tile_overlayer_lowered;
	s6 =	simm.s32 $_tile_overlayer_lowered  }
0x9b: {  	s22 =	simm.s32 $0x1BFF;
	s21 =	sshll.u32 s6, $0x1;
	s3 =	sadd.s32 s4, s19  }
0x9c: {  	s7 =	simm.s32 $0x0;
	s20 =	sshll.u32 s5, $0x1;
	s5 =	sadd.s32 s21, s3  }
0x9d: {  	[timem:s7], [sflag:s22] =	dma.local [hbm:s5], s20  }
0x9e: {  	_ =	swait.ge [sflag:s22], s20  }
0x9f: {  	s4 =	ssub.s32 $0x0, s20;
	[sflag:s22] =	ssyncset.done $0x0  }
0xa0: {  	[sflag:s22] =	ssyncadd.s32 s4;
	_ =	sdelay $0x1  }
0xa1: {  	s23 =	simm.s32 $0x1B8B  }
0xa2: {  	_ =	swait.ge [sflag:s23], $0x1  }
0xa3: {  	[sflag:s23] =	ssyncset.done $0x0  }
0xa4: {  	s25 =	simm.s32 $0x1B8E;
	s24 =	sld [smem:$0x3FFE];
	[sflag:s23] =	ssyncadd.s32 $0xFFFFFFFF  }
0xa5: {  	s26 =	simm.s32 $execute0_lowered;
	[smem:$0x3FD2] =	sst s25  }
0xa6: {  	s5 =	sshll.u32 s26, $0x1;
	_ =	strace $0x80000049;
	[dreg:$0x1] =	wrdreg $0xFFFFFFFF  }
0xa7: {  	s28 =	simm.s32 $_size_execute0_lowered;
	s3 =	sadd.s32 s3, s5;
	[dreg:$0x0] =	wrdreg $0x0  }
0xa8: {  	s5 =	sshll.u32 s28, $0x1;
	[dreg:$0x2] =	wrdreg s3  }
0xa9: {  	[dreg:$0x3] =	wrdreg s5  }
0xaa: {  	[dreg:$0x4] =	wrdreg $0xC0  }
0xab: {  	_ =	task [dreg:s7], $0x5FFFF  }
0xac: {  	[dreg:$0x1] =	wrdreg $0xFFFFFFFF  }
0xad: {  	[dreg:$0x0] =	wrdreg $0x60  }
0xae: {  	[dreg:$0x2] =	wrdreg s2  }
0xaf: {  	[dreg:$0x3] =	wrdreg s24  }
0xb0: {  	[dreg:$0x4] =	wrdreg $0x27800  }
0xb1: {  	[dreg:$0x5] =	wrdreg $0x0  }
0xb2: {  	[dreg:$0x6] =	wrdreg $0x9  }
0xb3: {  	_ =	task.clear_ibuf [dreg:s7], $0x7FFFF;
	_ =	strace $0x90000049  }
0xb4: {  	s29 =	simm.s32 $0x9;
	_ =	strace $0x8000004B  }
0xb5: {  	_ =	swait.ge [sflag:s29], $0x1  }
0xb6: {  	[sflag:s29] =	ssyncadd.s32 $0xFFFFFFFF  }
0xb7: {  	_ =	strace $0x9000004B  }
0xb8: {  	_ =	sfence  }
0xb9: {  	s30 =	sld [smem:$0x0];
	_ =	sdelay $0x2  }
0xba: {  	s31 =	sshll.u32 s1, $0xD;
	s1 =	sshrl.u32 s1, $0x2  }
0xbb: {  	s3 =	sand.u32 $0x4000, s31;
	s1 =	sadd.s32 s1, s30  }
0xbc: {  	s0 =	sor.u32 s3, s0;
	s1 =	sshll.u32 s1, $0x11  }
0xbd: {  	s0 =	sor.u32 s1, s0  }
0xbe: {  	s0 =	sadd.s32 $0x8F2B, s0  }
0xbf: {  	[sflag:s0] =	ssyncadd.remote.s32 $0x1  }
0xc0: {  	_ =	sfence.sel $0xFFFF  }
0xc1: {  	[dreg:$0x0] =	wrdreg $0xFFFFFFFF;
	(pc) =	sbr.abs _section_cstart, $3  }
0xc2: {  	[dreg:$0x1] =	wrdreg $0xFFFFFFFF  }
0xc3: {  	_ =	task.clear_ibuf [dreg:s7], $0x2FFFF;
	_ =	strace $0x9FFFFFFF  }
0xc4: {  	(tm) =	ssettm $0x7FFFFFFF  }
0xc5: {  	_ =	shalt  }
tec
execute0_lowered:
.L_overlay_start_1:
0x0: {  	(tag) =	ssettag $0x1  }
0x1: {  	s6 =	rddreg [dreg:$0x0]  }
0x2: {  	s5 =	rddreg [dreg:$0x1]  }
0x3: {  	s2 =	rddreg [dreg:$0x2];
	s0 =	srdreg.scid  }
0x4: {  	s3 =	rddreg [dreg:$0x3];
	s1 =	stileid.u32;
	s4 =	simm.s32 $0x0  }
0x5: {  	s12 =	simm.s32 $0x5;
	s15 =	simm.s32 $0x4F00;
	s16 =	simm.s32 $0x9F00  }
0x6: {  	s17 =	simm.s32 $0xFA;
	s18 =	simm.s32 $0xEF00;
	s19 =	simm.s32 $0x1  }
0x7: {  	s20 =	simm.s32 $0x5000;
	s21 =	simm.s32 $0xFEA0;
	s22 =	simm.s32 $0x2  }
0x8: {  	s23 =	simm.s32 $0x3;
	s24 =	simm.s32 $0x5100;
	s25 =	simm.s32 $0xA000  }
0x9: {  	s26 =	simm.s32 $0x4;
	s7 =	sand.u32 $0x1, s0;
	s0 =	rddreg [dreg:$0x4]  }
0xa: {  	s9 =	smul.u32 $0x2780, s1;
	[smem:$0x7FF] =	sst s4;
	s13 =	sshll.u32 s1, $0x6  }
0xb: {  	s8 =	sshll.u32 s7, $0x4;
	s10 =	smul.u32 $0x27800, s7;
	_ =	strace $0x8000004A  }
0xc: {  	s7 =	ssub.s32 $0x2, s7;
	s13 =	sor.u32 $0x1C05, s13;
	s8 =	sor.u32 s1, s8  }
0xd: {  	s11 =	sshrl.u32 s7, $0x1;
	s31 =	sshrl.u32 s9, $0x3;
	s8 =	smul.u32 $0xA00, s8  }
.Ltmp0:
0xe: {  	s14 =	sadd.s32 s9, s3;
	s10 =	sadd.s32 s9, s10;
	(pc) =	sbr.rel .LBB2_1-.Ltmp0, $4  }
0xf: {  	s11 =	ssub.s32 s7, s11;
	s6 =	sadd.s32 s6, s31;
	s10 =	sshrl.u32 s10, $0x3  }
0x10: {  	s14 =	sshrl.u32 s14, $0x3;
	s8 =	sadd.s32 s8, s5;
	s10 =	sadd.s32 s10, s5  }
0x11: {  	s5 =	sadd.s32 s9, s2;
	s7 =	sadd.s32 $0x16C00, s8;
	s8 =	sadd.s32 $0x2600, s8  }
0x12: {  	v0 =	vimm.f32 $0.0e+00;
	s9 =	sadd.s32 $0x2AC00, s10;
	s10 =	smax.u32 s11, $0x1;
	s11 =	simm.s32 $0x10E40  }
.LBB2_5:
0x13: {  	s28 =	sadd.s32 $0xA200, s29  }
0x14: {  	[spmem:s2] =	stream.indirect.scatter.add.f32 [tilespmem:s21], [sflag:$0x4], $0x10, s28, s17, $0xb8;
	[tilespmem:$0x135C0] =	vst v63  }
.LBB2_7:
0x15: {  	_ =	swait.ge [sflag:s26], $0xFA0  }
0x16: {  	s4 =	sadd.s32 $0x1, s4;
	[sflag:s26] =	ssyncset.done $0x0  }
0x17: {  	p0 =	sne.s32 s4, s10;
	[sflag:s26] =	ssyncadd.s32 $0xFFFFF060  }
.Ltmp1:
0x18: {  	s28 =	sshrl.u32 s5, $0x3;
	[bflag:$0x0] =	sbarrier.arrive $0xFFFF;
	(pc) =	sbr.rel @!p0 .LBB2_8-.Ltmp1, $4  }
0x19: {  	[hbm:s9], [sflag:s13] =	dma.local [spmem:s28], $0x4F0  }
0x1a: {  	_ =	swait.ge [sflag:s12], $0x4F0  }
0x1b: {  	[sflag:s12] =	ssyncset.done $0x0  }
0x1c: {  	[sflag:s12] =	ssyncadd.s32 $0xFFFFFB10  }
.LBB2_1:
0x1d: {  	s28 =	simm.s32 $0x40;
	s29 =	simm.s32 $0x0  }
.LBB2_2:
0x1e: {  	p0 =	sne.s32 s28, $0x9DC0;
	[tilespmem:s29+$0x10E40] =	vst v0;
	s29 =	smov.u32 s28;
	s28 =	sadd.s32 $0x40, s28  }
.Ltmp2:
0x1f: {  	(pc) =	sbr.rel @p0 .LBB2_2-.Ltmp2, $2  }
0x20: {  	_ =	sdelay $0x2  }
0x21: {  	s29 =	sshra.s32 s29, $0x2  }
0x22: {  	[tilespmem:s29+$0x10E40] =	vst v0  }
0x23: {  	[spmem:s5] =	stream.linear.scatter [tilespmem:s11], [sflag:$0x5], $0x2780, $0x38;
	[tilespmem:$0x135C0] =	vst v63  }
0x24: {  	_ =	swait.ge [sflag:s12], $0x2780  }
0x25: {  	[sflag:s12] =	ssyncset.done $0x0  }
0x26: {  	[sflag:s12] =	ssyncadd.s32 $0xFFFFD880  }
0x27: {  	[spmem:s14], [sflag:s13] =	dma.local [hbm:s6], $0x4F0  }
0x28: {  	_ =	swait.ge [sflag:s12], $0x4F0  }
0x29: {  	[sflag:s12] =	ssyncset.done $0x0  }
0x2a: {  	s28 =	simm.s32 $0x0;
	[sflag:s12] =	ssyncadd.s32 $0xFFFFFB10  }
0x2b: {  	[tilespmem:s15], [sflag:$0x5] =	stream.linear.gather [hbm4b:s7+s28], $0x5000, $0x38;
	[tilespmem:$0x135C0] =	vst v63  }
0x2c: {  	_ =	swait.ge [sflag:s12], $0x5000  }
0x2d: {  	[sflag:s12] =	ssyncset.done $0x0  }
0x2e: {  	[sflag:s12] =	ssyncadd.s32 $0xFFFFB000  }
0x2f: {  	[tilespmem:s16], [sflag:$0x5] =	stream.linear.gather [hbm4b:s8+s28], $0x5000, $0x38;
	[tilespmem:$0x135C0] =	vst v63  }
0x30: {  	_ =	swait.ge [sflag:s12], $0x5000  }
0x31: {  	[sflag:s12] =	ssyncset.done $0x0  }
0x32: {  	[sflag:s12] =	ssyncadd.s32 $0xFFFFB000  }
0x33: {  	[bflag:$0x0] =	sbarrier.arrive $0xFFFF  }
0x34: {  	[tilespmem:s18], [sflag:$0x1] =	stream.indirect.gather [spmem:s3], $0x10, s15, s17, $0xb8;
	[tilespmem:$0x135C0] =	vst v63  }
0x35: {  	_ =	swait.ge [sflag:s19], $0xFA0  }
0x36: {  	[sflag:s19] =	ssyncset.done $0x0  }
0x37: {  	[sflag:s19] =	ssyncadd.s32 $0xFFFFF060  }
0x38: {  	[tilespmem:s21], [sflag:$0x2] =	stream.indirect.gather [spmem:s3], $0x10, s20, s17, $0xb8;
	[tilespmem:$0x135C0] =	vst v63  }
0x39: {  	_ = 	snop  }
0x3a: {  	[spmem:s2] =	stream.indirect.scatter.add.f32 [tilespmem:s18], [sflag:$0x3], $0x10, s16, s17, $0xb8;
	[tilespmem:$0x135C0] =	vst v63  }
0x3b: {  	_ =	swait.ge [sflag:s22], $0xFA0  }
0x3c: {  	[sflag:s22] =	ssyncset.done $0x0  }
0x3d: {  	[sflag:s22] =	ssyncadd.s32 $0xFFFFF060  }
0x3e: {  	_ =	swait.ge [sflag:s23], $0xFA0  }
0x3f: {  	[sflag:s23] =	ssyncset.done $0x0  }
0x40: {  	[sflag:s23] =	ssyncadd.s32 $0xFFFFF060  }
0x41: {  	[tilespmem:s18], [sflag:$0x1] =	stream.indirect.gather [spmem:s3], $0x10, s24, s17, $0xb8;
	[tilespmem:$0x135C0] =	vst v63  }
0x42: {  	_ = 	snop  }
0x43: {  	[spmem:s2] =	stream.indirect.scatter.add.f32 [tilespmem:s21], [sflag:$0x4], $0x10, s25, s17, $0xb8;
	[tilespmem:$0x135C0] =	vst v63  }
.LBB2_4:
0x44: {  	_ =	swait.ge [sflag:s19], $0xFA0  }
0x45: {  	[sflag:s19] =	ssyncset.done $0x0  }
0x46: {  	[sflag:s19] =	ssyncadd.s32 $0xFFFFF060  }
0x47: {  	_ =	swait.ge [sflag:s26], $0xFA0  }
0x48: {  	s29 =	sshra.s32 s28, $0x2;
	[sflag:s26] =	ssyncset.done $0x0  }
0x49: {  	s30 =	sadd.s32 $0x5200, s29;
	[sflag:s26] =	ssyncadd.s32 $0xFFFFF060  }
0x4a: {  	[tilespmem:s21], [sflag:$0x2] =	stream.indirect.gather [spmem:s3], $0x10, s30, s17, $0xb8;
	[tilespmem:$0x135C0] =	vst v63  }
0x4b: {  	s31 =	sadd.s32 $0xA100, s29  }
0x4c: {  	[spmem:s2] =	stream.indirect.scatter.add.f32 [tilespmem:s18], [sflag:$0x3], $0x10, s31, s17, $0xb8;
	[tilespmem:$0x135C0] =	vst v63  }
0x4d: {  	p0 =	sne.s32 s28, $0x13000;
	_ =	swait.ge [sflag:s22], $0xFA0  }
.Ltmp3:
0x4e: {  	[sflag:s22] =	ssyncset.done $0x0;
	(pc) =	sbr.rel @!p0 .LBB2_5-.Ltmp3, $4  }
0x4f: {  	[sflag:s22] =	ssyncadd.s32 $0xFFFFF060  }
0x50: {  	_ =	swait.ge [sflag:s23], $0xFA0  }
0x51: {  	[sflag:s23] =	ssyncset.done $0x0  }
0x52: {  	[sflag:s23] =	ssyncadd.s32 $0xFFFFF060  }
0x53: {  	s28 =	sadd.s32 $0x800, s28  }
0x54: {  	p0 =	sne.s32 s28, $0x13800  }
.Ltmp4:
0x55: {  	_ = 	snop;
	(pc) =	sbr.rel @p0 .LBB2_4-.Ltmp4, $4  }
.Ltmp5:
0x56: {  	s30 =	sadd.s32 $0x5300, s29;
	(pc) =	sbr.rel @!p0 .LBB2_7-.Ltmp5, $4  }
0x57: {  	[tilespmem:s18], [sflag:$0x1] =	stream.indirect.gather [spmem:s3], $0x10, s30, s17, $0xb8;
	[tilespmem:$0x135C0] =	vst v63  }
0x58: {  	s31 =	sadd.s32 $0xA200, s29  }
0x59: {  	[spmem:s2] =	stream.indirect.scatter.add.f32 [tilespmem:s21], [sflag:$0x4], $0x10, s31, s17, $0xb8;
	[tilespmem:$0x135C0] =	vst v63  }
0x5a: {  	_ = 	snop  }
.LBB2_8:
0x5b: {  	_ =	sfence.sel $0x180000  }
0x5c: {  	[bflag:$0x0] =	sbarrier.arrive $0xFFFF  }
0x5d: {  	p0 =	sne.s32 s1, $0x0;
	_ =	strace $0x9000004A  }
0x5e: {  	s0 =	sadd.s32 @!p0 $0x100000, s0;
	[bflag:$0x2] =	sbarrier.arrive $0xFFFF  }
0x5f: {  	[sflag:s0] =	ssyncadd.tile.s32 @!p0 $0x1;
	_ =	shalt  }
.Lfunc_end2:
_tile_overlayer_lowered:
.L_overlay_start_2:
0x60: {  	(tag) =	ssettag $0x2  }
0x61: {  	s0 =	rddreg [dreg:$0x0];
	s2 =	stileid.u32  }
0x62: {  	s1 =	rddreg [dreg:$0x1];
	p0 =	sne.s32 s2, $0x0  }
0x63: {  	s3 =	rddreg [dreg:$0x2];
	[bflag:$0x3] =	sbarrier.arrive $0xFFFF;
	s2 =	simm.s32 @!p0 $0x1C05  }
0x64: {  	[timem:s3], [sflag:s2] =	dma.local @!p0 [hbm:s0], s1  }
0x65: {  	s0 =	simm.s32 @!p0 $0x5  }
0x66: {  	_ =	swait.ge @!p0 [sflag:s0], s1  }
0x67: {  	s1 =	ssub.s32 @!p0 $0x0, s1;
	[sflag:s0] =	ssyncset.done @!p0 $0x0  }
0x68: {  	[sflag:s0] =	ssyncadd.s32 @!p0 s1  }
0x69: {  	[bflag:$0x3] =	sbarrier.arrive $0xFFFF  }
0x6a: {  	_ =	shalt  }

// kernel: kernel.16.cloned.1.call-start
scs
__scs_entry_jumppad:
0x0: {  	(pc) =	sbr.rel $0x88, $3  }
0x1: {  	(tag) =	ssettag $0x0;
	lr =	simm.s32 $0x1  }
0x2: {  	[smem:$0x3F95] =	sst lr;
	_ =	strace $0xD0000000  }
0x3: {  	_ = 	snop  }
0x4: {  	_ = 	snop  }
0x5: {  	_ = 	snop  }
0x6: {  	_ = 	snop  }
0x7: {  	_ = 	snop  }
__scs_overlays_trampoline_lowered:
0x8: {  	[smem:$0x3FA4] =	sst s0  }
0x9: {  	[smem:$0x3FA5] =	sst s1  }
0xa: {  	[smem:$0x3FA6] =	sst s2  }
0xb: {  	[smem:$0x3FA7] =	sst s3  }
0xc: {  	[smem:$0x3FA8] =	sst s4  }
0xd: {  	[smem:$0x3FA9] =	sst s5  }
0xe: {  	[smem:$0x3FAA] =	sst s6  }
0xf: {  	[smem:$0x3FAB] =	sst s7  }
0x10: {  	[smem:$0x3FAC] =	sst s8  }
0x11: {  	[smem:$0x3FAD] =	sst s9;
	s0 =	simm.s32 @!p0 $0x0  }
0x12: {  	s1 =	sld [smem:$0x3F93];
	s0 =	simm.s32 @p0 $0x1  }
0x13: {  	[smem:$0x3FAE] =	sst s0;
	s0 =	simm.s32 @!p1 $0x0  }
0x14: {  	s2 =	sld [smem:$0x3F92];
	s0 =	simm.s32 @p1 $0x1  }
0x15: {  	[smem:$0x3FAF] =	sst s0;
	s0 =	simm.s32 @!p2 $0x0  }
0x16: {  	s3 =	sld [smem:$0x3FDB];
	s0 =	simm.s32 @p2 $0x1  }
0x17: {  	s4 =	simm.s32 $0x1BF5;
	[smem:$0x3FB1] =	sst s0  }
0x18: {  	s0 =	sld [smem:$0x3F94];
	_ =	swait.ge [sflag:s4], $0x0  }
0x19: {  	s7 =	sld [smem:$0x3F95]  }
0x1a: {  	s8 =	sadd.s32 $0xFFFFE003, lr  }
0x1b: {  	s9 =	sadd.s32 $0xFFFFFEF7, lr;
	s5 =	simm.s32 $0xFFFFFFFF;
	p2 =	slt.u32 s8, $0xFFFFF086  }
0x1c: {  	p1 =	slt.u32 s9, $0xF7A;
	s5 =	simm.s32 @!p2 $0x0  }
0x1d: {  	s5 =	simm.s32 @p1 $0x1;
	p0 =	seq.s32 s7, s2  }
0x1e: {  	s7 =	smul.u32 @!p0 $0xF7A, s2;
	p2 =	seq.s32 @!p0 s5, $0x0  }
0x1f: {  	s9 =	smul.u32 $0xF7A, s1;
	s8 =	simm.s32 @!p0 $0x1BF5;
	p2 =	por !p2, p0  }
0x20: {  	[sflag:s8] =	ssyncset.s32 @!p0 $0xFFFFF086;
	s6 =	sadd.s32 @!p0 s3, s7;
	s7 =	simm.s32 @!p0 $0x108  }
0x21: {  	s3 =	sadd.s32 s3, s9;
	s6 =	sadd.s32 @!p0 $0x88, s6;
	s7 =	simm.s32 @p2 $0x1082  }
0x22: {  	[simem:s7], [sflag:s8] =	dma.local @!p0 [hbm:s6], $0xF7A  }
0x23: {  	s9 =	sor.u32 $0xD0000000, s2;
	s6 =	simm.s32 $0x108;
	_ =	swait.ge @!p0 [sflag:s8], $0x0  }
0x24: {  	s3 =	sadd.s32 $0x88, s3;
	s6 =	simm.s32 @!p1 $0x1082;
	[sflag:s4] =	ssyncset.s32 $0xFFFFF086  }
0x25: {  	[simem:s6], [sflag:s4] =	dma.local [hbm:s3], $0xF7A  }
0x26: {  	[smem:$0x3F95] =	sst s1;
	(tag) =	ssettag s2;
	_ =	strace s9  }
0x27: {  	s1 =	sld [smem:$0x3FA5]  }
0x28: {  	s2 =	sld [smem:$0x3FA6]  }
0x29: {  	s4 =	sld [smem:$0x3FA8]  }
0x2a: {  	p0 =	seq.s32 s5, $0x0;
	s5 =	sld [smem:$0x3FA9]  }
0x2b: {  	s6 =	sld [smem:$0x3FAA]  }
0x2c: {  	s7 =	sld [smem:$0x3FAB]  }
0x2d: {  	s3 =	simm.s32 $0x108;
	s8 =	sld [smem:$0x3FAC]  }
0x2e: {  	s3 =	simm.s32 @!p0 $0x1082;
	s9 =	sld [smem:$0x3FAD]  }
0x2f: {  	lr =	sadd.s32 s0, s3;
	s0 =	sld [smem:$0x3FA4]  }
0x30: {  	s3 =	sld [smem:$0x3FA7]  }
0x31: {  	[smem:$0x3FB0] =	sst s10  }
0x32: {  	s10 =	sld [smem:$0x3FAE];
	_ =	sdelay $0x3  }
0x33: {  	p0 =	seq.s32 s10, $0x1;
	s10 =	sld [smem:$0x3FB0];
	_ =	sdelay $0x3  }
0x34: {  	[smem:$0x3FB0] =	sst s10  }
0x35: {  	s10 =	sld [smem:$0x3FAF];
	_ =	sdelay $0x3  }
0x36: {  	p1 =	seq.s32 s10, $0x1;
	s10 =	sld [smem:$0x3FB0];
	_ =	sdelay $0x3  }
0x37: {  	[smem:$0x3FB0] =	sst s10  }
0x38: {  	s10 =	sld [smem:$0x3FB1]  }
0x39: {  	_ = 	snop;
	(pc) =	sbr.ind lr, $3  }
0x3a: {  	_ = 	snop  }
0x3b: {  	_ = 	snop  }
0x3c: {  	p2 =	seq.s32 s10, $0x1;
	s10 =	sld [smem:$0x3FB0]  }
0x3d: {  	_ =	shalt  }
0x3e: {  	_ =	shalt  }
0x3f: {  	_ =	shalt  }
0x40: {  	_ =	shalt  }
0x41: {  	_ =	shalt  }
0x42: {  	_ =	shalt  }
0x43: {  	_ =	shalt  }
0x44: {  	_ =	shalt  }
0x45: {  	_ =	shalt  }
0x46: {  	_ =	shalt  }
0x47: {  	_ =	shalt  }
0x48: {  	_ =	shalt  }
0x49: {  	_ =	shalt  }
0x4a: {  	_ =	shalt  }
0x4b: {  	_ =	shalt  }
0x4c: {  	_ =	shalt  }
0x4d: {  	_ =	shalt  }
0x4e: {  	_ =	shalt  }
0x4f: {  	_ =	shalt  }
0x50: {  	_ =	shalt  }
0x51: {  	_ =	shalt  }
0x52: {  	_ =	shalt  }
0x53: {  	_ =	shalt  }
0x54: {  	_ =	shalt  }
0x55: {  	_ =	shalt  }
0x56: {  	_ =	shalt  }
0x57: {  	_ =	shalt  }
0x58: {  	_ =	shalt  }
0x59: {  	_ =	shalt  }
0x5a: {  	_ =	shalt  }
0x5b: {  	_ =	shalt  }
0x5c: {  	_ =	shalt  }
0x5d: {  	_ =	shalt  }
0x5e: {  	_ =	shalt  }
0x5f: {  	_ =	shalt  }
0x60: {  	_ =	shalt  }
0x61: {  	_ =	shalt  }
0x62: {  	_ =	shalt  }
0x63: {  	_ =	shalt  }
0x64: {  	_ =	shalt  }
0x65: {  	_ =	shalt  }
0x66: {  	_ =	shalt  }
0x67: {  	_ =	shalt  }
0x68: {  	_ =	shalt  }
0x69: {  	_ =	shalt  }
0x6a: {  	_ =	shalt  }
0x6b: {  	_ =	shalt  }
0x6c: {  	_ =	shalt  }
0x6d: {  	_ =	shalt  }
0x6e: {  	_ =	shalt  }
0x6f: {  	_ =	shalt  }
0x70: {  	_ =	shalt  }
0x71: {  	_ =	shalt  }
0x72: {  	_ =	shalt  }
0x73: {  	_ =	shalt  }
0x74: {  	_ =	shalt  }
0x75: {  	_ =	shalt  }
0x76: {  	_ =	shalt  }
0x77: {  	_ =	shalt  }
0x78: {  	_ =	shalt  }
0x79: {  	_ =	shalt  }
0x7a: {  	_ =	shalt  }
0x7b: {  	_ =	shalt  }
0x7c: {  	_ =	shalt  }
0x7d: {  	_ =	shalt  }
0x7e: {  	_ =	shalt  }
0x7f: {  	_ =	shalt  }
0x80: {  	_ =	shalt  }
0x81: {  	_ =	shalt  }
0x82: {  	_ =	shalt  }
0x83: {  	_ =	shalt  }
0x84: {  	_ =	shalt  }
0x85: {  	_ =	shalt  }
0x86: {  	_ =	shalt  }
0x87: {  	_ =	shalt  }
.Lfunc_end0:
.L_simem_size_0:
called_computation.2_lowered:
.L_overlay_start_0:
0x88: {  	s2 =	sld [smem:$0x3FD9]  }
0x89: {  	s3 =	sld [smem:$0x3FFE];
	_ =	sdelay $0x1  }
0x8a: {  	s1 =	srdreg.scid  }
0x8b: {  	s0 =	sand.u32 $0x1, s1  }
0x8c: {  	s16 =	sshll.u32 s0, $0xA;
	s2 =	sadd.s32 s3, s2  }
0x8d: {  	s2 =	sadd.s32 s2, s16  }
0x8e: {  	[smem:$0x3FBC] =	sst s2  }
0x8f: {  	_ = 	snop  }
0x90: {  	(tm) =	ssettm $0x1  }
0x91: {  	s17 =	sld [smem:$0x3FFB];
	_ =	sdelay $0x3  }
0x92: {  	_ =	strace s17  }
0x93: {  	s2 =	sld [smem:$0x3FFC];
	_ =	sdelay $0x3  }
0x94: {  	_ =	strace s2  }
0x95: {  	s2 =	sld [smem:$0x3FFD];
	_ =	sdelay $0x3  }
0x96: {  	_ =	strace s2  }
0x97: {  	_ =	strace $0x8FFFFFFF  }
0x98: {  	s18 =	sld [smem:$0x3FDB];
	_ =	sdelay $0x1  }
0x99: {  	s19 =	simm.s32 $_scs_section_size  }
0x9a: {  	s4 =	simm.s32 $_size__tile_overlayer_lowered;
	s5 =	simm.s32 $_tile_overlayer_lowered  }
0x9b: {  	s22 =	simm.s32 $0x1BFF;
	s21 =	sshll.u32 s5, $0x1;
	s2 =	sadd.s32 s19, s18  }
0x9c: {  	s6 =	simm.s32 $0x0;
	s20 =	sshll.u32 s4, $0x1;
	s4 =	sadd.s32 s21, s2  }
0x9d: {  	[timem:s6], [sflag:s22] =	dma.local [hbm:s4], s20  }
0x9e: {  	_ =	swait.ge [sflag:s22], s20  }
0x9f: {  	s3 =	ssub.s32 $0x0, s20;
	[sflag:s22] =	ssyncset.done $0x0  }
0xa0: {  	[sflag:s22] =	ssyncadd.s32 s3;
	_ =	sdelay $0x1  }
0xa1: {  	s23 =	simm.s32 $0x1B8B  }
0xa2: {  	_ =	swait.ge [sflag:s23], $0x1  }
0xa3: {  	[sflag:s23] =	ssyncset.done $0x0  }
0xa4: {  	s25 =	simm.s32 $0x1B8E;
	s24 =	sld [smem:$0x3FFE];
	[sflag:s23] =	ssyncadd.s32 $0xFFFFFFFF  }
0xa5: {  	s26 =	simm.s32 $execute0_lowered;
	[smem:$0x3FD2] =	sst s25  }
0xa6: {  	s4 =	sshll.u32 s26, $0x1;
	_ =	strace $0x8000004C;
	[dreg:$0x1] =	wrdreg $0xFFFFFFFF  }
0xa7: {  	s28 =	simm.s32 $_size_execute0_lowered;
	s2 =	sadd.s32 s2, s4;
	[dreg:$0x0] =	wrdreg $0x0  }
0xa8: {  	s4 =	sshll.u32 s28, $0x1;
	[dreg:$0x2] =	wrdreg s2  }
0xa9: {  	[dreg:$0x3] =	wrdreg s4  }
0xaa: {  	[dreg:$0x4] =	wrdreg $0xC0  }
0xab: {  	_ =	task [dreg:s6], $0x5FFFF  }
0xac: {  	[dreg:$0x1] =	wrdreg $0xFFFFFFFF  }
0xad: {  	[dreg:$0x0] =	wrdreg $0x60  }
0xae: {  	[dreg:$0x2] =	wrdreg s24  }
0xaf: {  	[dreg:$0x3] =	wrdreg $0x4F000  }
0xb0: {  	[dreg:$0x4] =	wrdreg $0x0  }
0xb1: {  	[dreg:$0x5] =	wrdreg $0x9  }
0xb2: {  	_ =	task.clear_ibuf [dreg:s6], $0x6FFFF;
	_ =	strace $0x9000004C  }
0xb3: {  	s29 =	simm.s32 $0x9;
	_ =	strace $0x8000004E  }
0xb4: {  	_ =	swait.ge [sflag:s29], $0x1  }
0xb5: {  	[sflag:s29] =	ssyncadd.s32 $0xFFFFFFFF  }
0xb6: {  	_ =	strace $0x9000004E  }
0xb7: {  	_ =	sfence  }
0xb8: {  	s30 =	sld [smem:$0x0];
	_ =	sdelay $0x2  }
0xb9: {  	s31 =	sshll.u32 s1, $0xD;
	s1 =	sshrl.u32 s1, $0x2  }
0xba: {  	s3 =	sand.u32 $0x4000, s31;
	s1 =	sadd.s32 s1, s30  }
0xbb: {  	s0 =	sor.u32 s3, s0;
	s1 =	sshll.u32 s1, $0x11  }
0xbc: {  	s0 =	sor.u32 s1, s0  }
0xbd: {  	s0 =	sadd.s32 $0x8F2B, s0  }
0xbe: {  	[sflag:s0] =	ssyncadd.remote.s32 $0x1  }
0xbf: {  	_ =	sfence.sel $0xFFFF  }
0xc0: {  	[dreg:$0x0] =	wrdreg $0xFFFFFFFF;
	(pc) =	sbr.abs _section_cstart, $3  }
0xc1: {  	[dreg:$0x1] =	wrdreg $0xFFFFFFFF  }
0xc2: {  	_ =	task.clear_ibuf [dreg:s6], $0x2FFFF;
	_ =	strace $0x9FFFFFFF  }
0xc3: {  	(tm) =	ssettm $0x7FFFFFFF  }
tec
execute0_lowered:
.L_overlay_start_1:
0x0: {  	(tag) =	ssettag $0x1  }
0x1: {  	s5 =	rddreg [dreg:$0x0]  }
0x2: {  	s2 =	rddreg [dreg:$0x1]  }
0x3: {  	s3 =	rddreg [dreg:$0x2]  }
0x4: {  	s0 =	rddreg [dreg:$0x3]  }
0x5: {  	s1 =	stileid.u32;
	s6 =	srdreg.scid;
	s4 =	simm.s32 $0x0  }
0x6: {  	s12 =	simm.s32 $0x5;
	s15 =	simm.s32 $0x9E00;
	s16 =	simm.s32 $0xEE00  }
0x7: {  	s17 =	simm.s32 $0xFA;
	s18 =	simm.s32 $0x13E00;
	s19 =	simm.s32 $0x1  }
0x8: {  	s20 =	simm.s32 $0x9F00;
	s21 =	simm.s32 $0x15D40;
	s22 =	simm.s32 $0x2  }
0x9: {  	s23 =	simm.s32 $0x3;
	s24 =	simm.s32 $0xA000;
	s25 =	simm.s32 $0xEF00  }
0xa: {  	s26 =	simm.s32 $0x4;
	s7 =	smul.u32 $0x4F00, s1;
	s6 =	sand.u32 $0x1, s6  }
0xb: {  	[smem:$0x7FF] =	sst s4;
	s13 =	sshll.u32 s1, $0x6;
	s8 =	sshll.u32 s6, $0x4  }
0xc: {  	s9 =	smul.u32 $0x4F000, s6;
	_ =	strace $0x8000004D;
	s6 =	ssub.s32 $0x2, s6  }
0xd: {  	s13 =	sor.u32 $0x1C05, s13;
	s10 =	sshrl.u32 s7, $0x3;
	s8 =	sor.u32 s1, s8  }
0xe: {  	s11 =	sshrl.u32 s6, $0x1;
	s14 =	sadd.s32 s7, s3;
	s8 =	smul.u32 $0xA00, s8  }
.Ltmp0:
0xf: {  	s9 =	sadd.s32 s7, s9;
	s10 =	sadd.s32 s10, s5;
	(pc) =	sbr.rel .LBB2_1-.Ltmp0, $4  }
0x10: {  	s11 =	ssub.s32 s6, s11;
	s14 =	sshrl.u32 s14, $0x3;
	s9 =	sshrl.u32 s9, $0x3  }
0x11: {  	s6 =	sadd.s32 $0x2AC00, s10;
	s10 =	smax.u32 s11, $0x1;
	s11 =	simm.s32 $0x17C80  }
0x12: {  	s8 =	sadd.s32 s8, s5;
	s9 =	sadd.s32 s9, s5;
	s5 =	sadd.s32 s7, s2  }
0x13: {  	v0 =	vimm.f32 $0.0e+00;
	s7 =	sadd.s32 $0x16C00, s8;
	s8 =	sadd.s32 $0x2600, s8;
	s9 =	sadd.s32 $0x34A00, s9  }
.LBB2_5:
0x14: {  	s28 =	sadd.s32 $0xF100, s29  }
0x15: {  	[spmem:s2] =	stream.indirect.scatter.add.f32 [tilespmem:s21], [sflag:$0x4], $0x20, s28, s17, $0xb8;
	[tilespmem:$0x1CB80] =	vst v63  }
.LBB2_7:
0x16: {  	_ =	swait.ge [sflag:s26], $0x1F40  }
0x17: {  	s4 =	sadd.s32 $0x1, s4;
	[sflag:s26] =	ssyncset.done $0x0  }
0x18: {  	p0 =	sne.s32 s4, s10;
	[sflag:s26] =	ssyncadd.s32 $0xFFFFE0C0  }
.Ltmp1:
0x19: {  	s28 =	sshrl.u32 s5, $0x3;
	[bflag:$0x0] =	sbarrier.arrive $0xFFFF;
	(pc) =	sbr.rel @!p0 .LBB2_8-.Ltmp1, $4  }
0x1a: {  	[hbm:s9], [sflag:s13] =	dma.local [spmem:s28], $0x9E0  }
0x1b: {  	_ =	swait.ge [sflag:s12], $0x9E0  }
0x1c: {  	[sflag:s12] =	ssyncset.done $0x0  }
0x1d: {  	[sflag:s12] =	ssyncadd.s32 $0xFFFFF620  }
.LBB2_1:
0x1e: {  	s28 =	simm.s32 $0x80;
	s29 =	simm.s32 $0x0  }
.LBB2_2:
0x1f: {  	p0 =	sne.s32 s28, $0x13B80;
	[tilespmem:s29+$0x17C80] =	vst v0;
	s30 =	smov.u32 s28;
	s28 =	sadd.s32 $0x80, s28  }
.Ltmp2:
0x20: {  	[tilespmem:s29+$0x17C90] =	vst v0;
	(pc) =	sbr.rel @p0 .LBB2_2-.Ltmp2, $2  }
0x21: {  	_ =	sdelay $0x2  }
0x22: {  	s29 =	sshra.s32 s30, $0x2  }
0x23: {  	[tilespmem:s29+$0x17C80] =	vst v0  }
0x24: {  	[tilespmem:s29+$0x17C90] =	vst v0  }
0x25: {  	[spmem:s5] =	stream.linear.scatter [tilespmem:s11], [sflag:$0x5], $0x4F00, $0x38;
	[tilespmem:$0x1CB80] =	vst v63  }
0x26: {  	_ =	swait.ge [sflag:s12], $0x4F00  }
0x27: {  	[sflag:s12] =	ssyncset.done $0x0  }
0x28: {  	[sflag:s12] =	ssyncadd.s32 $0xFFFFB100  }
0x29: {  	[spmem:s14], [sflag:s13] =	dma.local [hbm:s6], $0x9E0  }
0x2a: {  	_ =	swait.ge [sflag:s12], $0x9E0  }
0x2b: {  	[sflag:s12] =	ssyncset.done $0x0  }
0x2c: {  	s28 =	simm.s32 $0x0;
	[sflag:s12] =	ssyncadd.s32 $0xFFFFF620  }
0x2d: {  	[tilespmem:s15], [sflag:$0x5] =	stream.linear.gather [hbm4b:s7+s28], $0x5000, $0x38;
	[tilespmem:$0x1CB80] =	vst v63  }
0x2e: {  	_ =	swait.ge [sflag:s12], $0x5000  }
0x2f: {  	[sflag:s12] =	ssyncset.done $0x0  }
0x30: {  	[sflag:s12] =	ssyncadd.s32 $0xFFFFB000  }
0x31: {  	[tilespmem:s16], [sflag:$0x5] =	stream.linear.gather [hbm4b:s8+s28], $0x5000, $0x38;
	[tilespmem:$0x1CB80] =	vst v63  }
0x32: {  	_ =	swait.ge [sflag:s12], $0x5000  }
0x33: {  	[sflag:s12] =	ssyncset.done $0x0  }
0x34: {  	[sflag:s12] =	ssyncadd.s32 $0xFFFFB000  }
0x35: {  	[bflag:$0x0] =	sbarrier.arrive $0xFFFF  }
0x36: {  	[tilespmem:s18], [sflag:$0x1] =	stream.indirect.gather [spmem:s3], $0x20, s15, s17, $0xb8;
	[tilespmem:$0x1CB80] =	vst v63  }
0x37: {  	_ =	swait.ge [sflag:s19], $0x1F40  }
0x38: {  	[sflag:s19] =	ssyncset.done $0x0  }
0x39: {  	[sflag:s19] =	ssyncadd.s32 $0xFFFFE0C0  }
0x3a: {  	[tilespmem:s21], [sflag:$0x2] =	stream.indirect.gather [spmem:s3], $0x20, s20, s17, $0xb8;
	[tilespmem:$0x1CB80] =	vst v63  }
0x3b: {  	_ = 	snop  }
0x3c: {  	[spmem:s2] =	stream.indirect.scatter.add.f32 [tilespmem:s18], [sflag:$0x3], $0x20, s16, s17, $0xb8;
	[tilespmem:$0x1CB80] =	vst v63  }
0x3d: {  	_ =	swait.ge [sflag:s22], $0x1F40  }
0x3e: {  	[sflag:s22] =	ssyncset.done $0x0  }
0x3f: {  	[sflag:s22] =	ssyncadd.s32 $0xFFFFE0C0  }
0x40: {  	_ =	swait.ge [sflag:s23], $0x1F40  }
0x41: {  	[sflag:s23] =	ssyncset.done $0x0  }
0x42: {  	[sflag:s23] =	ssyncadd.s32 $0xFFFFE0C0  }
0x43: {  	[tilespmem:s18], [sflag:$0x1] =	stream.indirect.gather [spmem:s3], $0x20, s24, s17, $0xb8;
	[tilespmem:$0x1CB80] =	vst v63  }
0x44: {  	_ = 	snop  }
0x45: {  	[spmem:s2] =	stream.indirect.scatter.add.f32 [tilespmem:s21], [sflag:$0x4], $0x20, s25, s17, $0xb8;
	[tilespmem:$0x1CB80] =	vst v63  }
.LBB2_4:
0x46: {  	_ =	swait.ge [sflag:s19], $0x1F40  }
0x47: {  	[sflag:s19] =	ssyncset.done $0x0  }
0x48: {  	[sflag:s19] =	ssyncadd.s32 $0xFFFFE0C0  }
0x49: {  	_ =	swait.ge [sflag:s26], $0x1F40  }
0x4a: {  	s29 =	sshra.s32 s28, $0x2;
	[sflag:s26] =	ssyncset.done $0x0  }
0x4b: {  	s30 =	sadd.s32 $0xA100, s29;
	[sflag:s26] =	ssyncadd.s32 $0xFFFFE0C0  }
0x4c: {  	[tilespmem:s21], [sflag:$0x2] =	stream.indirect.gather [spmem:s3], $0x20, s30, s17, $0xb8;
	[tilespmem:$0x1CB80] =	vst v63  }
0x4d: {  	s31 =	sadd.s32 $0xF000, s29  }
0x4e: {  	[spmem:s2] =	stream.indirect.scatter.add.f32 [tilespmem:s18], [sflag:$0x3], $0x20, s31, s17, $0xb8;
	[tilespmem:$0x1CB80] =	vst v63  }
0x4f: {  	p0 =	sne.s32 s28, $0x13000;
	_ =	swait.ge [sflag:s22], $0x1F40  }
.Ltmp3:
0x50: {  	[sflag:s22] =	ssyncset.done $0x0;
	(pc) =	sbr.rel @!p0 .LBB2_5-.Ltmp3, $4  }
0x51: {  	[sflag:s22] =	ssyncadd.s32 $0xFFFFE0C0  }
0x52: {  	_ =	swait.ge [sflag:s23], $0x1F40  }
0x53: {  	[sflag:s23] =	ssyncset.done $0x0  }
0x54: {  	[sflag:s23] =	ssyncadd.s32 $0xFFFFE0C0  }
0x55: {  	s28 =	sadd.s32 $0x800, s28  }
0x56: {  	p0 =	sne.s32 s28, $0x13800  }
.Ltmp4:
0x57: {  	_ = 	snop;
	(pc) =	sbr.rel @p0 .LBB2_4-.Ltmp4, $4  }
.Ltmp5:
0x58: {  	s30 =	sadd.s32 $0xA200, s29;
	(pc) =	sbr.rel @!p0 .LBB2_7-.Ltmp5, $4  }
0x59: {  	[tilespmem:s18], [sflag:$0x1] =	stream.indirect.gather [spmem:s3], $0x20, s30, s17, $0xb8;
	[tilespmem:$0x1CB80] =	vst v63  }
0x5a: {  	s31 =	sadd.s32 $0xF100, s29  }
0x5b: {  	[spmem:s2] =	stream.indirect.scatter.add.f32 [tilespmem:s21], [sflag:$0x4], $0x20, s31, s17, $0xb8;
	[tilespmem:$0x1CB80] =	vst v63  }
0x5c: {  	_ = 	snop  }
.LBB2_8:
0x5d: {  	_ =	sfence.sel $0x180000  }
0x5e: {  	[bflag:$0x0] =	sbarrier.arrive $0xFFFF  }
0x5f: {  	p0 =	sne.s32 s1, $0x0;
	_ =	strace $0x9000004D  }
0x60: {  	s0 =	sadd.s32 @!p0 $0x100000, s0;
	[bflag:$0x2] =	sbarrier.arrive $0xFFFF  }
0x61: {  	[sflag:s0] =	ssyncadd.tile.s32 @!p0 $0x1;
	_ =	shalt  }
.Lfunc_end2:
_tile_overlayer_lowered:
.L_overlay_start_2:
0x62: {  	(tag) =	ssettag $0x2  }
0x63: {  	s0 =	rddreg [dreg:$0x0];
	s2 =	stileid.u32  }
0x64: {  	s1 =	rddreg [dreg:$0x1];
	p0 =	sne.s32 s2, $0x0  }
0x65: {  	s3 =	rddreg [dreg:$0x2];
	[bflag:$0x3] =	sbarrier.arrive $0xFFFF;
	s2 =	simm.s32 @!p0 $0x1C05  }
0x66: {  	[timem:s3], [sflag:s2] =	dma.local @!p0 [hbm:s0], s1  }
0x67: {  	s0 =	simm.s32 @!p0 $0x5  }
0x68: {  	_ =	swait.ge @!p0 [sflag:s0], s1  }
0x69: {  	s1 =	ssub.s32 @!p0 $0x0, s1;
	[sflag:s0] =	ssyncset.done @!p0 $0x0  }
0x6a: {  	[sflag:s0] =	ssyncadd.s32 @!p0 s1  }
0x6b: {  	[bflag:$0x3] =	sbarrier.arrive $0xFFFF  }
0x6c: {  	_ =	shalt  }

// kernel: kernel.19.cloned.1.call-start
scs
__scs_entry_jumppad:
0x0: {  	(pc) =	sbr.rel $0x88, $3  }
0x1: {  	(tag) =	ssettag $0x0;
	lr =	simm.s32 $0x1  }
0x2: {  	[smem:$0x3F95] =	sst lr;
	_ =	strace $0xD0000000  }
0x3: {  	_ = 	snop  }
0x4: {  	_ = 	snop  }
0x5: {  	_ = 	snop  }
0x6: {  	_ = 	snop  }
0x7: {  	_ = 	snop  }
__scs_overlays_trampoline_lowered:
0x8: {  	[smem:$0x3FA4] =	sst s0  }
0x9: {  	[smem:$0x3FA5] =	sst s1  }
0xa: {  	[smem:$0x3FA6] =	sst s2  }
0xb: {  	[smem:$0x3FA7] =	sst s3  }
0xc: {  	[smem:$0x3FA8] =	sst s4  }
0xd: {  	[smem:$0x3FA9] =	sst s5  }
0xe: {  	[smem:$0x3FAA] =	sst s6  }
0xf: {  	[smem:$0x3FAB] =	sst s7  }
0x10: {  	[smem:$0x3FAC] =	sst s8  }
0x11: {  	[smem:$0x3FAD] =	sst s9;
	s0 =	simm.s32 @!p0 $0x0  }
0x12: {  	s1 =	sld [smem:$0x3F93];
	s0 =	simm.s32 @p0 $0x1  }
0x13: {  	[smem:$0x3FAE] =	sst s0;
	s0 =	simm.s32 @!p1 $0x0  }
0x14: {  	s2 =	sld [smem:$0x3F92];
	s0 =	simm.s32 @p1 $0x1  }
0x15: {  	[smem:$0x3FAF] =	sst s0;
	s0 =	simm.s32 @!p2 $0x0  }
0x16: {  	s3 =	sld [smem:$0x3FDB];
	s0 =	simm.s32 @p2 $0x1  }
0x17: {  	s4 =	simm.s32 $0x1BF5;
	[smem:$0x3FB1] =	sst s0  }
0x18: {  	s0 =	sld [smem:$0x3F94];
	_ =	swait.ge [sflag:s4], $0x0  }
0x19: {  	s7 =	sld [smem:$0x3F95]  }
0x1a: {  	s8 =	sadd.s32 $0xFFFFE003, lr  }
0x1b: {  	s9 =	sadd.s32 $0xFFFFFEF7, lr;
	s5 =	simm.s32 $0xFFFFFFFF;
	p2 =	slt.u32 s8, $0xFFFFF086  }
0x1c: {  	p1 =	slt.u32 s9, $0xF7A;
	s5 =	simm.s32 @!p2 $0x0  }
0x1d: {  	s5 =	simm.s32 @p1 $0x1;
	p0 =	seq.s32 s7, s2  }
0x1e: {  	s7 =	smul.u32 @!p0 $0xF7A, s2;
	p2 =	seq.s32 @!p0 s5, $0x0  }
0x1f: {  	s9 =	smul.u32 $0xF7A, s1;
	s8 =	simm.s32 @!p0 $0x1BF5;
	p2 =	por !p2, p0  }
0x20: {  	[sflag:s8] =	ssyncset.s32 @!p0 $0xFFFFF086;
	s6 =	sadd.s32 @!p0 s3, s7;
	s7 =	simm.s32 @!p0 $0x108  }
0x21: {  	s3 =	sadd.s32 s3, s9;
	s6 =	sadd.s32 @!p0 $0x88, s6;
	s7 =	simm.s32 @p2 $0x1082  }
0x22: {  	[simem:s7], [sflag:s8] =	dma.local @!p0 [hbm:s6], $0xF7A  }
0x23: {  	s9 =	sor.u32 $0xD0000000, s2;
	s6 =	simm.s32 $0x108;
	_ =	swait.ge @!p0 [sflag:s8], $0x0  }
0x24: {  	s3 =	sadd.s32 $0x88, s3;
	s6 =	simm.s32 @!p1 $0x1082;
	[sflag:s4] =	ssyncset.s32 $0xFFFFF086  }
0x25: {  	[simem:s6], [sflag:s4] =	dma.local [hbm:s3], $0xF7A  }
0x26: {  	[smem:$0x3F95] =	sst s1;
	(tag) =	ssettag s2;
	_ =	strace s9  }
0x27: {  	s1 =	sld [smem:$0x3FA5]  }
0x28: {  	s2 =	sld [smem:$0x3FA6]  }
0x29: {  	s4 =	sld [smem:$0x3FA8]  }
0x2a: {  	p0 =	seq.s32 s5, $0x0;
	s5 =	sld [smem:$0x3FA9]  }
0x2b: {  	s6 =	sld [smem:$0x3FAA]  }
0x2c: {  	s7 =	sld [smem:$0x3FAB]  }
0x2d: {  	s3 =	simm.s32 $0x108;
	s8 =	sld [smem:$0x3FAC]  }
0x2e: {  	s3 =	simm.s32 @!p0 $0x1082;
	s9 =	sld [smem:$0x3FAD]  }
0x2f: {  	lr =	sadd.s32 s0, s3;
	s0 =	sld [smem:$0x3FA4]  }
0x30: {  	s3 =	sld [smem:$0x3FA7]  }
0x31: {  	[smem:$0x3FB0] =	sst s10  }
0x32: {  	s10 =	sld [smem:$0x3FAE];
	_ =	sdelay $0x3  }
0x33: {  	p0 =	seq.s32 s10, $0x1;
	s10 =	sld [smem:$0x3FB0];
	_ =	sdelay $0x3  }
0x34: {  	[smem:$0x3FB0] =	sst s10  }
0x35: {  	s10 =	sld [smem:$0x3FAF];
	_ =	sdelay $0x3  }
0x36: {  	p1 =	seq.s32 s10, $0x1;
	s10 =	sld [smem:$0x3FB0];
	_ =	sdelay $0x3  }
0x37: {  	[smem:$0x3FB0] =	sst s10  }
0x38: {  	s10 =	sld [smem:$0x3FB1]  }
0x39: {  	_ = 	snop;
	(pc) =	sbr.ind lr, $3  }
0x3a: {  	_ = 	snop  }
0x3b: {  	_ = 	snop  }
0x3c: {  	p2 =	seq.s32 s10, $0x1;
	s10 =	sld [smem:$0x3FB0]  }
0x3d: {  	_ =	shalt  }
0x3e: {  	_ =	shalt  }
0x3f: {  	_ =	shalt  }
0x40: {  	_ =	shalt  }
0x41: {  	_ =	shalt  }
0x42: {  	_ =	shalt  }
0x43: {  	_ =	shalt  }
0x44: {  	_ =	shalt  }
0x45: {  	_ =	shalt  }
0x46: {  	_ =	shalt  }
0x47: {  	_ =	shalt  }
0x48: {  	_ =	shalt  }
0x49: {  	_ =	shalt  }
0x4a: {  	_ =	shalt  }
0x4b: {  	_ =	shalt  }
0x4c: {  	_ =	shalt  }
0x4d: {  	_ =	shalt  }
0x4e: {  	_ =	shalt  }
0x4f: {  	_ =	shalt  }
0x50: {  	_ =	shalt  }
0x51: {  	_ =	shalt  }
0x52: {  	_ =	shalt  }
0x53: {  	_ =	shalt  }
0x54: {  	_ =	shalt  }
0x55: {  	_ =	shalt  }
0x56: {  	_ =	shalt  }
0x57: {  	_ =	shalt  }
0x58: {  	_ =	shalt  }
0x59: {  	_ =	shalt  }
0x5a: {  	_ =	shalt  }
0x5b: {  	_ =	shalt  }
0x5c: {  	_ =	shalt  }
0x5d: {  	_ =	shalt  }
0x5e: {  	_ =	shalt  }
0x5f: {  	_ =	shalt  }
0x60: {  	_ =	shalt  }
0x61: {  	_ =	shalt  }
0x62: {  	_ =	shalt  }
0x63: {  	_ =	shalt  }
0x64: {  	_ =	shalt  }
0x65: {  	_ =	shalt  }
0x66: {  	_ =	shalt  }
0x67: {  	_ =	shalt  }
0x68: {  	_ =	shalt  }
0x69: {  	_ =	shalt  }
0x6a: {  	_ =	shalt  }
0x6b: {  	_ =	shalt  }
0x6c: {  	_ =	shalt  }
0x6d: {  	_ =	shalt  }
0x6e: {  	_ =	shalt  }
0x6f: {  	_ =	shalt  }
0x70: {  	_ =	shalt  }
0x71: {  	_ =	shalt  }
0x72: {  	_ =	shalt  }
0x73: {  	_ =	shalt  }
0x74: {  	_ =	shalt  }
0x75: {  	_ =	shalt  }
0x76: {  	_ =	shalt  }
0x77: {  	_ =	shalt  }
0x78: {  	_ =	shalt  }
0x79: {  	_ =	shalt  }
0x7a: {  	_ =	shalt  }
0x7b: {  	_ =	shalt  }
0x7c: {  	_ =	shalt  }
0x7d: {  	_ =	shalt  }
0x7e: {  	_ =	shalt  }
0x7f: {  	_ =	shalt  }
0x80: {  	_ =	shalt  }
0x81: {  	_ =	shalt  }
0x82: {  	_ =	shalt  }
0x83: {  	_ =	shalt  }
0x84: {  	_ =	shalt  }
0x85: {  	_ =	shalt  }
0x86: {  	_ =	shalt  }
0x87: {  	_ =	shalt  }
.Lfunc_end0:
.L_simem_size_0:
called_computation.3_lowered:
.L_overlay_start_0:
0x88: {  	s2 =	sld [smem:$0x3FD9]  }
0x89: {  	s3 =	sld [smem:$0x3FFE];
	_ =	sdelay $0x1  }
0x8a: {  	s1 =	srdreg.scid  }
0x8b: {  	s0 =	sand.u32 $0x1, s1  }
0x8c: {  	s17 =	sshll.u32 s0, $0xA;
	s2 =	sadd.s32 s3, s2  }
0x8d: {  	s2 =	sadd.s32 s2, s17  }
0x8e: {  	[smem:$0x3FBC] =	sst s2  }
0x8f: {  	_ = 	snop  }
0x90: {  	s2 =	sld [smem:$0x3FD0];
	(tm) =	ssettm $0x1  }
0x91: {  	s18 =	sld [smem:$0x3FFB];
	_ =	sdelay $0x3  }
0x92: {  	_ =	strace s18  }
0x93: {  	s3 =	sld [smem:$0x3FFC];
	_ =	sdelay $0x3  }
0x94: {  	_ =	strace s3  }
0x95: {  	s3 =	sld [smem:$0x3FFD];
	_ =	sdelay $0x3  }
0x96: {  	_ =	strace s3  }
0x97: {  	_ =	strace $0x8FFFFFFF  }
0x98: {  	s19 =	sld [smem:$0x3FDB];
	_ =	sdelay $0x1  }
0x99: {  	s4 =	simm.s32 $_scs_section_size  }
0x9a: {  	s5 =	simm.s32 $_size__tile_overlayer_lowered;
	s6 =	simm.s32 $_tile_overlayer_lowered  }
0x9b: {  	s22 =	simm.s32 $0x1BFF;
	s21 =	sshll.u32 s6, $0x1;
	s3 =	sadd.s32 s4, s19  }
0x9c: {  	s7 =	simm.s32 $0x0;
	s20 =	sshll.u32 s5, $0x1;
	s5 =	sadd.s32 s21, s3  }
0x9d: {  	[timem:s7], [sflag:s22] =	dma.local [hbm:s5], s20  }
0x9e: {  	_ =	swait.ge [sflag:s22], s20  }
0x9f: {  	s4 =	ssub.s32 $0x0, s20;
	[sflag:s22] =	ssyncset.done $0x0  }
0xa0: {  	[sflag:s22] =	ssyncadd.s32 s4;
	_ =	sdelay $0x1  }
0xa1: {  	s23 =	simm.s32 $0x1B8B  }
0xa2: {  	_ =	swait.ge [sflag:s23], $0x1  }
0xa3: {  	[sflag:s23] =	ssyncset.done $0x0  }
0xa4: {  	s25 =	simm.s32 $0x1B8E;
	s24 =	sld [smem:$0x3FFE];
	[sflag:s23] =	ssyncadd.s32 $0xFFFFFFFF  }
0xa5: {  	s26 =	simm.s32 $execute0_lowered;
	[smem:$0x3FD2] =	sst s25  }
0xa6: {  	s5 =	sshll.u32 s26, $0x1;
	_ =	strace $0x8000004F;
	[dreg:$0x1] =	wrdreg $0xFFFFFFFF  }
0xa7: {  	s28 =	simm.s32 $_size_execute0_lowered;
	s3 =	sadd.s32 s3, s5;
	[dreg:$0x0] =	wrdreg $0x0  }
0xa8: {  	s5 =	sshll.u32 s28, $0x1;
	[dreg:$0x2] =	wrdreg s3  }
0xa9: {  	[dreg:$0x3] =	wrdreg s5  }
0xaa: {  	[dreg:$0x4] =	wrdreg $0xC0  }
0xab: {  	_ =	task [dreg:s7], $0x5FFFF  }
0xac: {  	[dreg:$0x1] =	wrdreg $0xFFFFFFFF  }
0xad: {  	[dreg:$0x0] =	wrdreg $0x60  }
0xae: {  	[dreg:$0x2] =	wrdreg s2  }
0xaf: {  	[dreg:$0x3] =	wrdreg s24  }
0xb0: {  	[dreg:$0x4] =	wrdreg $0x27800  }
0xb1: {  	[dreg:$0x5] =	wrdreg $0x0  }
0xb2: {  	[dreg:$0x6] =	wrdreg $0x9  }
0xb3: {  	_ =	task.clear_ibuf [dreg:s7], $0x7FFFF;
	_ =	strace $0x9000004F  }
0xb4: {  	s29 =	simm.s32 $0x9;
	_ =	strace $0x80000051  }
0xb5: {  	_ =	swait.ge [sflag:s29], $0x1  }
0xb6: {  	[sflag:s29] =	ssyncadd.s32 $0xFFFFFFFF  }
0xb7: {  	_ =	strace $0x90000051  }
0xb8: {  	_ =	sfence  }
0xb9: {  	s30 =	sld [smem:$0x0];
	_ =	sdelay $0x2  }
0xba: {  	s31 =	sshll.u32 s1, $0xD;
	s1 =	sshrl.u32 s1, $0x2  }
0xbb: {  	s3 =	sand.u32 $0x4000, s31;
	s1 =	sadd.s32 s1, s30  }
0xbc: {  	s0 =	sor.u32 s3, s0;
	s1 =	sshll.u32 s1, $0x11  }
0xbd: {  	s0 =	sor.u32 s1, s0  }
0xbe: {  	s0 =	sadd.s32 $0x8F2B, s0  }
0xbf: {  	[sflag:s0] =	ssyncadd.remote.s32 $0x1  }
0xc0: {  	_ =	sfence.sel $0xFFFF  }
0xc1: {  	[dreg:$0x0] =	wrdreg $0xFFFFFFFF;
	(pc) =	sbr.abs _section_cstart, $3  }
0xc2: {  	[dreg:$0x1] =	wrdreg $0xFFFFFFFF  }
0xc3: {  	_ =	task.clear_ibuf [dreg:s7], $0x2FFFF;
	_ =	strace $0x9FFFFFFF  }
0xc4: {  	(tm) =	ssettm $0x7FFFFFFF  }
0xc5: {  	_ =	shalt  }
tec
execute0_lowered:
.L_overlay_start_1:
0x0: {  	(tag) =	ssettag $0x1  }
0x1: {  	s6 =	rddreg [dreg:$0x0]  }
0x2: {  	s5 =	rddreg [dreg:$0x1]  }
0x3: {  	s2 =	rddreg [dreg:$0x2];
	s0 =	srdreg.scid  }
0x4: {  	s3 =	rddreg [dreg:$0x3];
	s1 =	stileid.u32;
	s4 =	simm.s32 $0x0  }
0x5: {  	s12 =	simm.s32 $0x5;
	s15 =	simm.s32 $0x4F00;
	s16 =	simm.s32 $0x9F00  }
0x6: {  	s17 =	simm.s32 $0xFA;
	s18 =	simm.s32 $0xEF00;
	s19 =	simm.s32 $0x1  }
0x7: {  	s20 =	simm.s32 $0x5000;
	s21 =	simm.s32 $0xFEA0;
	s22 =	simm.s32 $0x2  }
0x8: {  	s23 =	simm.s32 $0x3;
	s24 =	simm.s32 $0x5100;
	s25 =	simm.s32 $0xA000  }
0x9: {  	s26 =	simm.s32 $0x4;
	s7 =	sand.u32 $0x1, s0;
	s0 =	rddreg [dreg:$0x4]  }
0xa: {  	s9 =	smul.u32 $0x2780, s1;
	[smem:$0x7FF] =	sst s4;
	s13 =	sshll.u32 s1, $0x6  }
0xb: {  	s8 =	sshll.u32 s7, $0x4;
	s10 =	smul.u32 $0x27800, s7;
	_ =	strace $0x80000050  }
0xc: {  	s7 =	ssub.s32 $0x2, s7;
	s13 =	sor.u32 $0x1C05, s13;
	s8 =	sor.u32 s1, s8  }
0xd: {  	s11 =	sshrl.u32 s7, $0x1;
	s31 =	sshrl.u32 s9, $0x3;
	s8 =	smul.u32 $0xA00, s8  }
.Ltmp0:
0xe: {  	s14 =	sadd.s32 s9, s3;
	s10 =	sadd.s32 s9, s10;
	(pc) =	sbr.rel .LBB2_1-.Ltmp0, $4  }
0xf: {  	s11 =	ssub.s32 s7, s11;
	s6 =	sadd.s32 s6, s31;
	s10 =	sshrl.u32 s10, $0x3  }
0x10: {  	s14 =	sshrl.u32 s14, $0x3;
	s8 =	sadd.s32 s8, s5;
	s10 =	sadd.s32 s10, s5  }
0x11: {  	s5 =	sadd.s32 s9, s2;
	s7 =	sadd.s32 $0x16C00, s8;
	s8 =	sadd.s32 $0x2600, s8  }
0x12: {  	v0 =	vimm.f32 $0.0e+00;
	s9 =	sadd.s32 $0x2AC00, s10;
	s10 =	smax.u32 s11, $0x1;
	s11 =	simm.s32 $0x10E40  }
.LBB2_5:
0x13: {  	s28 =	sadd.s32 $0xA200, s29  }
0x14: {  	[spmem:s2] =	stream.indirect.scatter.add.f32 [tilespmem:s21], [sflag:$0x4], $0x10, s28, s17, $0xb8;
	[tilespmem:$0x135C0] =	vst v63  }
.LBB2_7:
0x15: {  	_ =	swait.ge [sflag:s26], $0xFA0  }
0x16: {  	s4 =	sadd.s32 $0x1, s4;
	[sflag:s26] =	ssyncset.done $0x0  }
0x17: {  	p0 =	sne.s32 s4, s10;
	[sflag:s26] =	ssyncadd.s32 $0xFFFFF060  }
.Ltmp1:
0x18: {  	s28 =	sshrl.u32 s5, $0x3;
	[bflag:$0x0] =	sbarrier.arrive $0xFFFF;
	(pc) =	sbr.rel @!p0 .LBB2_8-.Ltmp1, $4  }
0x19: {  	[hbm:s9], [sflag:s13] =	dma.local [spmem:s28], $0x4F0  }
0x1a: {  	_ =	swait.ge [sflag:s12], $0x4F0  }
0x1b: {  	[sflag:s12] =	ssyncset.done $0x0  }
0x1c: {  	[sflag:s12] =	ssyncadd.s32 $0xFFFFFB10  }
.LBB2_1:
0x1d: {  	s28 =	simm.s32 $0x40;
	s29 =	simm.s32 $0x0  }
.LBB2_2:
0x1e: {  	p0 =	sne.s32 s28, $0x9DC0;
	[tilespmem:s29+$0x10E40] =	vst v0;
	s29 =	smov.u32 s28;
	s28 =	sadd.s32 $0x40, s28  }
.Ltmp2:
0x1f: {  	(pc) =	sbr.rel @p0 .LBB2_2-.Ltmp2, $2  }
0x20: {  	_ =	sdelay $0x2  }
0x21: {  	s29 =	sshra.s32 s29, $0x2  }
0x22: {  	[tilespmem:s29+$0x10E40] =	vst v0  }
0x23: {  	[spmem:s5] =	stream.linear.scatter [tilespmem:s11], [sflag:$0x5], $0x2780, $0x38;
	[tilespmem:$0x135C0] =	vst v63  }
0x24: {  	_ =	swait.ge [sflag:s12], $0x2780  }
0x25: {  	[sflag:s12] =	ssyncset.done $0x0  }
0x26: {  	[sflag:s12] =	ssyncadd.s32 $0xFFFFD880  }
0x27: {  	[spmem:s14], [sflag:s13] =	dma.local [hbm:s6], $0x4F0  }
0x28: {  	_ =	swait.ge [sflag:s12], $0x4F0  }
0x29: {  	[sflag:s12] =	ssyncset.done $0x0  }
0x2a: {  	s28 =	simm.s32 $0x0;
	[sflag:s12] =	ssyncadd.s32 $0xFFFFFB10  }
0x2b: {  	[tilespmem:s15], [sflag:$0x5] =	stream.linear.gather [hbm4b:s7+s28], $0x5000, $0x38;
	[tilespmem:$0x135C0] =	vst v63  }
0x2c: {  	_ =	swait.ge [sflag:s12], $0x5000  }
0x2d: {  	[sflag:s12] =	ssyncset.done $0x0  }
0x2e: {  	[sflag:s12] =	ssyncadd.s32 $0xFFFFB000  }
0x2f: {  	[tilespmem:s16], [sflag:$0x5] =	stream.linear.gather [hbm4b:s8+s28], $0x5000, $0x38;
	[tilespmem:$0x135C0] =	vst v63  }
0x30: {  	_ =	swait.ge [sflag:s12], $0x5000  }
0x31: {  	[sflag:s12] =	ssyncset.done $0x0  }
0x32: {  	[sflag:s12] =	ssyncadd.s32 $0xFFFFB000  }
0x33: {  	[bflag:$0x0] =	sbarrier.arrive $0xFFFF  }
0x34: {  	[tilespmem:s18], [sflag:$0x1] =	stream.indirect.gather [spmem:s3], $0x10, s15, s17, $0xb8;
	[tilespmem:$0x135C0] =	vst v63  }
0x35: {  	_ =	swait.ge [sflag:s19], $0xFA0  }
0x36: {  	[sflag:s19] =	ssyncset.done $0x0  }
0x37: {  	[sflag:s19] =	ssyncadd.s32 $0xFFFFF060  }
0x38: {  	[tilespmem:s21], [sflag:$0x2] =	stream.indirect.gather [spmem:s3], $0x10, s20, s17, $0xb8;
	[tilespmem:$0x135C0] =	vst v63  }
0x39: {  	_ = 	snop  }
0x3a: {  	[spmem:s2] =	stream.indirect.scatter.add.f32 [tilespmem:s18], [sflag:$0x3], $0x10, s16, s17, $0xb8;
	[tilespmem:$0x135C0] =	vst v63  }
0x3b: {  	_ =	swait.ge [sflag:s22], $0xFA0  }
0x3c: {  	[sflag:s22] =	ssyncset.done $0x0  }
0x3d: {  	[sflag:s22] =	ssyncadd.s32 $0xFFFFF060  }
0x3e: {  	_ =	swait.ge [sflag:s23], $0xFA0  }
0x3f: {  	[sflag:s23] =	ssyncset.done $0x0  }
0x40: {  	[sflag:s23] =	ssyncadd.s32 $0xFFFFF060  }
0x41: {  	[tilespmem:s18], [sflag:$0x1] =	stream.indirect.gather [spmem:s3], $0x10, s24, s17, $0xb8;
	[tilespmem:$0x135C0] =	vst v63  }
0x42: {  	_ = 	snop  }
0x43: {  	[spmem:s2] =	stream.indirect.scatter.add.f32 [tilespmem:s21], [sflag:$0x4], $0x10, s25, s17, $0xb8;
	[tilespmem:$0x135C0] =	vst v63  }
.LBB2_4:
0x44: {  	_ =	swait.ge [sflag:s19], $0xFA0  }
0x45: {  	[sflag:s19] =	ssyncset.done $0x0  }
0x46: {  	[sflag:s19] =	ssyncadd.s32 $0xFFFFF060  }
0x47: {  	_ =	swait.ge [sflag:s26], $0xFA0  }
0x48: {  	s29 =	sshra.s32 s28, $0x2;
	[sflag:s26] =	ssyncset.done $0x0  }
0x49: {  	s30 =	sadd.s32 $0x5200, s29;
	[sflag:s26] =	ssyncadd.s32 $0xFFFFF060  }
0x4a: {  	[tilespmem:s21], [sflag:$0x2] =	stream.indirect.gather [spmem:s3], $0x10, s30, s17, $0xb8;
	[tilespmem:$0x135C0] =	vst v63  }
0x4b: {  	s31 =	sadd.s32 $0xA100, s29  }
0x4c: {  	[spmem:s2] =	stream.indirect.scatter.add.f32 [tilespmem:s18], [sflag:$0x3], $0x10, s31, s17, $0xb8;
	[tilespmem:$0x135C0] =	vst v63  }
0x4d: {  	p0 =	sne.s32 s28, $0x13000;
	_ =	swait.ge [sflag:s22], $0xFA0  }
.Ltmp3:
0x4e: {  	[sflag:s22] =	ssyncset.done $0x0;
	(pc) =	sbr.rel @!p0 .LBB2_5-.Ltmp3, $4  }
0x4f: {  	[sflag:s22] =	ssyncadd.s32 $0xFFFFF060  }
0x50: {  	_ =	swait.ge [sflag:s23], $0xFA0  }
0x51: {  	[sflag:s23] =	ssyncset.done $0x0  }
0x52: {  	[sflag:s23] =	ssyncadd.s32 $0xFFFFF060  }
0x53: {  	s28 =	sadd.s32 $0x800, s28  }
0x54: {  	p0 =	sne.s32 s28, $0x13800  }
.Ltmp4:
0x55: {  	_ = 	snop;
	(pc) =	sbr.rel @p0 .LBB2_4-.Ltmp4, $4  }
.Ltmp5:
0x56: {  	s30 =	sadd.s32 $0x5300, s29;
	(pc) =	sbr.rel @!p0 .LBB2_7-.Ltmp5, $4  }
0x57: {  	[tilespmem:s18], [sflag:$0x1] =	stream.indirect.gather [spmem:s3], $0x10, s30, s17, $0xb8;
	[tilespmem:$0x135C0] =	vst v63  }
0x58: {  	s31 =	sadd.s32 $0xA200, s29  }
0x59: {  	[spmem:s2] =	stream.indirect.scatter.add.f32 [tilespmem:s21], [sflag:$0x4], $0x10, s31, s17, $0xb8;
	[tilespmem:$0x135C0] =	vst v63  }
0x5a: {  	_ = 	snop  }
.LBB2_8:
0x5b: {  	_ =	sfence.sel $0x180000  }
0x5c: {  	[bflag:$0x0] =	sbarrier.arrive $0xFFFF  }
0x5d: {  	p0 =	sne.s32 s1, $0x0;
	_ =	strace $0x90000050  }
0x5e: {  	s0 =	sadd.s32 @!p0 $0x100000, s0;
	[bflag:$0x2] =	sbarrier.arrive $0xFFFF  }
0x5f: {  	[sflag:s0] =	ssyncadd.tile.s32 @!p0 $0x1;
	_ =	shalt  }
.Lfunc_end2:
_tile_overlayer_lowered:
.L_overlay_start_2:
0x60: {  	(tag) =	ssettag $0x2  }
0x61: {  	s0 =	rddreg [dreg:$0x0];
	s2 =	stileid.u32  }
0x62: {  	s1 =	rddreg [dreg:$0x1];
	p0 =	sne.s32 s2, $0x0  }
0x63: {  	s3 =	rddreg [dreg:$0x2];
	[bflag:$0x3] =	sbarrier.arrive $0xFFFF;
	s2 =	simm.s32 @!p0 $0x1C05  }
0x64: {  	[timem:s3], [sflag:s2] =	dma.local @!p0 [hbm:s0], s1  }
0x65: {  	s0 =	simm.s32 @!p0 $0x5  }
0x66: {  	_ =	swait.ge @!p0 [sflag:s0], s1  }
0x67: {  	s1 =	ssub.s32 @!p0 $0x0, s1;
	[sflag:s0] =	ssyncset.done @!p0 $0x0  }
0x68: {  	[sflag:s0] =	ssyncadd.s32 @!p0 s1  }
0x69: {  	[bflag:$0x3] =	sbarrier.arrive $0xFFFF  }
0x6a: {  	_ =	shalt  }

</sc_bundles>
